<compile_context>
chip_gen: v7x
topology: tpu7x:2x2x1
jax: 0.10.2.dev20260603
libtpu: 0.0.44.dev20260713+nightly
codegen_flags: <defaults>
</compile_context>

<pallas_src>
import functools

import jax
import jax.numpy as jnp
from jax import lax
from jax.experimental import pallas as pl
from jax.experimental.pallas import tpu as pltpu
from jax.experimental.pallas import tpu_sc as plsc

N = 10000
D = 128
E = 320000

NC = 2
NS = 16
NW = NC * NS
G = 64
CH = 8
OPS = 160
NCH = OPS // CH
DEPTH = 4
E_PAD = NW * OPS * G
ROWS_PER_TILE = 632
N_ACC = NS * ROWS_PER_TILE

_sc_mesh = plsc.VectorSubcoreMesh(core_axis_name="c", subcore_axis_name="s")


@functools.partial(
    pl.kernel,
    out_type=jax.ShapeDtypeStruct((NC, N_ACC, D), jnp.float32),
    mesh=_sc_mesh,
    scratch_types=[
        pltpu.VMEM((3, CH, G), jnp.int32),
        pltpu.VMEM((3, CH, G), jnp.int32),
        pltpu.VMEM((G, D), jnp.float32),
        pltpu.VMEM((G, D), jnp.float32),
        pltpu.VMEM((G, D), jnp.float32),
        pltpu.VMEM((G, D), jnp.float32),
        pltpu.VMEM_SHARED((N_ACC, D), jnp.float32),
        pltpu.SemaphoreType.DMA,
        pltpu.SemaphoreType.DMA,
        pltpu.SemaphoreType.DMA,
        pltpu.SemaphoreType.DMA,
        pltpu.SemaphoreType.DMA,
    ],
)
def _sc_aggregate(x_hbm, src_hbm, dst_hbm, zeros_hbm, out_hbm,
                  csrc_v, cdst_v, rows0_v, rows1_v, rows2_v, rows3_v, acc_sh,
                  gsem0, gsem1, gsem2, gsem3, isem):
    c = lax.axis_index("c")
    s = lax.axis_index("s")
    pltpu.sync_copy(zeros_hbm, acc_sh.at[pl.ds(s * ROWS_PER_TILE, ROWS_PER_TILE)])
    w = s * NC + c
    rows = (rows0_v, rows1_v, rows2_v, rows3_v)
    gsems = (gsem0, gsem1, gsem2, gsem3)

    def _idx_start(m, b):
        pltpu.async_copy(src_hbm.at[w, pl.ds(m * CH, CH)], csrc_v.at[b], isem)
        pltpu.async_copy(dst_hbm.at[w, pl.ds(m * CH, CH)], cdst_v.at[b], isem)

    def _idx_wait():
        pltpu.make_async_copy(src_hbm.at[w, pl.ds(0, CH)], csrc_v.at[0], isem).wait()
        pltpu.make_async_copy(dst_hbm.at[w, pl.ds(0, CH)], cdst_v.at[0], isem).wait()

    def _gather(idx, buf, sem):
        pltpu.async_copy(x_hbm.at[plsc.Indices(idx, ignored_value=-1)], buf, sem)

    def _gather_wait(idx, buf, sem):
        pltpu.make_async_copy(
            x_hbm.at[plsc.Indices(idx, ignored_value=-1)], buf, sem).wait()

    def _scatter(idx, buf):
        pltpu.sync_copy(
            buf, acc_sh.at[plsc.Indices(idx, ignored_value=-1)], add=True)

    plsc.subcore_barrier()

    _idx_start(0, 0)
    _idx_start(1, 1)
    _idx_start(2, 2)
    _idx_wait()
    for j in range(DEPTH - 1):
        _gather(csrc_v.at[0, j], rows[j % DEPTH], gsems[j % DEPTH])

    def body(k, carry):
        b = k % 3
        bn = (k + 1) % 3

        @pl.when(k + 1 < NCH)
        def _():
            _idx_wait()

        for l in range(CH):
            r = l % DEPTH
            _gather_wait(csrc_v.at[b, l], rows[r], gsems[r])
            _scatter(cdst_v.at[b, l], rows[r])
            p = k * CH + l + DEPTH - 1

            @pl.when(p < OPS)
            def _(l=l, b=b, bn=bn, r=r):
                lp = l + DEPTH - 1
                if lp < CH:
                    _gather(csrc_v.at[b, lp], rows[lp % DEPTH], gsems[lp % DEPTH])
                else:
                    _gather(csrc_v.at[bn, lp - CH], rows[lp % DEPTH], gsems[lp % DEPTH])

        @pl.when(k + 3 < NCH)
        def _():
            _idx_start(k + 3, b)

        return carry

    lax.fori_loop(0, NCH, body, 0)
    plsc.subcore_barrier()
    pltpu.sync_copy(
        acc_sh.at[pl.ds(s * ROWS_PER_TILE, ROWS_PER_TILE)],
        out_hbm.at[c, pl.ds(s * ROWS_PER_TILE, ROWS_PER_TILE)],
    )


def _mlp_body(x_ref, p_ref, w1_ref, b1_ref, g1_ref, be1_ref,
              w2_ref, b2_ref, g2_ref, be2_ref, w3_ref, o_ref):
    def _bn_relu(z, g, be):
        m = jnp.mean(z, axis=0, keepdims=True)
        v = jnp.mean(z * z, axis=0, keepdims=True) - m * m
        a = g * lax.rsqrt(v + 1e-5)
        return jnp.maximum(z * a + (be - m * a), 0.0)

    h = x_ref[...] + p_ref[0, :N, :] + p_ref[1, :N, :]
    z = jnp.dot(h, w1_ref[...], preferred_element_type=jnp.float32) + b1_ref[...]
    h = _bn_relu(z, g1_ref[...], be1_ref[...])
    z = jnp.dot(h, w2_ref[...], preferred_element_type=jnp.float32) + b2_ref[...]
    h = _bn_relu(z, g2_ref[...], be2_ref[...])
    o_ref[...] = jnp.maximum(
        jnp.dot(h, w3_ref[...], preferred_element_type=jnp.float32), 0.0)


def kernel(x, edge_index, W1, b1, g1, be1, W2, b2, g2, be2, W3):
    src = edge_index[0].astype(jnp.int32)
    dst = edge_index[1].astype(jnp.int32)
    pad = E_PAD - E
    fill = jnp.full((pad,), -1, jnp.int32)
    src_p = jnp.concatenate([src, fill]).reshape(NW, OPS, G)
    dst_p = jnp.concatenate([dst, fill]).reshape(NW, OPS, G)
    zeros = jnp.zeros((ROWS_PER_TILE, D), jnp.float32)
    parts = _sc_aggregate(x, src_p, dst_p, zeros)
    return pl.pallas_call(
        _mlp_body,
        out_shape=jax.ShapeDtypeStruct((N, D), jnp.float32),
    )(x, parts, W1, b1.reshape(1, D), g1.reshape(1, D), be1.reshape(1, D),
      W2, b2.reshape(1, D), g2.reshape(1, D), be2.reshape(1, D), W3)

# --- scband reference (transcript-rebuilt; emitter-appended) ---
"""Pipeline reference for scband-ginlayer-71416716197907 (READ-ONLY COPY).

The authoritative reference and input builder live on the scoring server;
editing this copy changes nothing except your own understanding.
"""

import jax, jax.numpy as jnp
import numpy as np

N = 10000
E = 320000
D = 128
H = 128
O = 128

def setup_inputs(seed: int = 0) -> dict:
    key = jax.random.key(seed)
    ks = jax.random.split(key, 12)
    x = jax.random.normal(ks[0], (N, D), dtype=jnp.float32)
    edge_index = jax.random.randint(ks[1], (2, E), 0, N, dtype=jnp.int64 if jax.config.read('jax_enable_x64') else jnp.int32)
    W1 = jax.random.normal(ks[2], (D, H), dtype=jnp.float32) * 0.05
    b1 = jnp.zeros((H,), dtype=jnp.float32)
    g1 = jnp.ones((H,), dtype=jnp.float32)
    be1 = jnp.zeros((H,), dtype=jnp.float32)
    W2 = jax.random.normal(ks[3], (H, H), dtype=jnp.float32) * 0.05
    b2 = jnp.zeros((H,), dtype=jnp.float32)
    g2 = jnp.ones((H,), dtype=jnp.float32)
    be2 = jnp.zeros((H,), dtype=jnp.float32)
    W3 = jax.random.normal(ks[4], (H, O), dtype=jnp.float32) * 0.05
    return {"x": x, "edge_index": edge_index, "W1": W1, "b1": b1, "g1": g1, "be1": be1, "W2": W2, "b2": b2, "g2": g2, "be2": be2, "W3": W3}

def _batchnorm(z, g, b, eps=1e-5):
    m = jnp.mean(z, axis=0)
    v = jnp.var(z, axis=0)
    return g * (z - m) / jnp.sqrt(v + eps) + b

def reference(x, edge_index, W1, b1, g1, be1, W2, b2, g2, be2, W3):
    src = edge_index[0]
    dst = edge_index[1]
    # GINConv with aggr='add', eps=0: h = (1+eps)*x + sum_{j in N(i)} x_j
    msgs = jnp.take(x, src, axis=0)
    agg = jax.ops.segment_sum(msgs, dst, num_segments=x.shape[0])
    h = x + agg
    # MLP: Linear(bias) -> BN -> ReLU, Linear(bias) -> BN -> ReLU, Linear(no bias)
    h = jnp.maximum(_batchnorm(h @ W1 + b1, g1, be1), 0.0)
    h = jnprelu2 = jnp.maximum(_batchnorm(h @ W2 + b2, g2, be2), 0.0)
    out = h @ W3
    # GINLayer activation (ReLU), bn=None
    return jnp.maximum(out, 0.0)

if __name__ == "__main__":
    import jax
    _d = setup_inputs()
    print(jax.jit(kernel)(*tuple(_d.values())))

</pallas_src>

<mosaic_0001>
#map = affine_map<(d0, d1) -> (0, 0)>
#map1 = affine_map<(d0, d1) -> (0, 0, 0)>
module attributes {stable_mosaic.version = 14 : i64} {
  func.func @_sc_aggregate(%arg0: i32, %arg1: i32, %arg2: memref<10000x128xf32, #tpu.memory_space<hbm>>, %arg3: memref<32x160x64xi32, #tpu.memory_space<hbm>>, %arg4: memref<32x160x64xi32, #tpu.memory_space<hbm>>, %arg5: memref<632x128xf32, #tpu.memory_space<hbm>>, %arg6: memref<2x10112x128xf32, #tpu.memory_space<hbm>>, %arg7: memref<3x8x64xi32, #tpu.memory_space<vmem>>, %arg8: memref<3x8x64xi32, #tpu.memory_space<vmem>>, %arg9: memref<64x128xf32, #tpu.memory_space<vmem>>, %arg10: memref<64x128xf32, #tpu.memory_space<vmem>>, %arg11: memref<64x128xf32, #tpu.memory_space<vmem>>, %arg12: memref<64x128xf32, #tpu.memory_space<vmem>>, %arg13: memref<10112x128xf32, #tpu.memory_space<vmem_shared>>, %arg14: memref<!tpu.dma_semaphore, #tpu.memory_space<semaphore_mem>>, %arg15: memref<!tpu.dma_semaphore, #tpu.memory_space<semaphore_mem>>, %arg16: memref<!tpu.dma_semaphore, #tpu.memory_space<semaphore_mem>>, %arg17: memref<!tpu.dma_semaphore, #tpu.memory_space<semaphore_mem>>, %arg18: memref<!tpu.dma_semaphore, #tpu.memory_space<semaphore_mem>>) attributes {dimension_semantics = [#tpu.dimension_semantics<core_parallel>, #tpu.dimension_semantics<subcore_parallel>], iteration_bounds = array<i64: 2, 16>, scalar_prefetch = 0 : i64, scratch_operands = 12 : i64, tpu.core_type = #tpu.core_type<sc_vector_subcore>, window_params = [{transform_indices = #map}, {transform_indices = #map1}, {transform_indices = #map1}, {transform_indices = #map}, {transform_indices = #map1}]} {
    %mul3A = arith.constant 632 : i32
    %mul3A_0 = arith.muli %arg1, %mul3A : i32
    "tpu.region"() ({
      %run_scoped3A = tpu.sem_alloc : memref<!tpu.dma_semaphore, #tpu.memory_space<semaphore_mem>>
      %dma_start3A_174 = arith.constant 0 : i32
      %dma_start3A_175 = tpu.memref_slice %arg13[%mul3A_0, %dma_start3A_174] : memref<10112x128xf32, #tpu.memory_space<vmem_shared>> -> memref<632x128xf32, #tpu.memory_space<vmem_shared>>
      tpu.enqueue_dma source(%arg5 : memref<632x128xf32, #tpu.memory_space<hbm>>) target(%dma_start3A_175 : memref<632x128xf32, #tpu.memory_space<vmem_shared>>) target_semaphore(%run_scoped3A : memref<!tpu.dma_semaphore, #tpu.memory_space<semaphore_mem>>)
      %dma_wait3A_176 = arith.constant 0 : i32
      %dma_wait3A_177 = tpu.memref_slice %arg13[%mul3A_0, %dma_wait3A_176] : memref<10112x128xf32, #tpu.memory_space<vmem_shared>> -> memref<632x128xf32, #tpu.memory_space<vmem_shared>>
      tpu.wait_dma2 semaphore(%run_scoped3A : memref<!tpu.dma_semaphore, #tpu.memory_space<semaphore_mem>>) src(%arg5 : memref<632x128xf32, #tpu.memory_space<hbm>>) dst(%dma_wait3A_177 : memref<632x128xf32, #tpu.memory_space<vmem_shared>>)
      tpu.yield
    }) : () -> ()
    %mul3A_1 = arith.constant 2 : i32
    %mul3A_2 = arith.muli %arg1, %mul3A_1 : i32
    %add3A = arith.addi %mul3A_2, %arg0 : i32
    %barrier3A = arith.constant 0 : index
    tpu.barrier barrier_id(%barrier3A)
    %dma_start3A = arith.constant 0 : i32
    %dma_start3A_3 = arith.constant 0 : i32
    %dma_start3A_4 = arith.constant 0 : i32
    %dma_start3A_5 = tpu.memref_slice %arg7[%dma_start3A, %dma_start3A_3, %dma_start3A_4] : memref<3x8x64xi32, #tpu.memory_space<vmem>> -> memref<1x8x64xi32, #tpu.memory_space<vmem>>
    %dma_start3A_6 = tpu.memref_squeeze %dma_start3A_5 : memref<1x8x64xi32, #tpu.memory_space<vmem>> -> memref<8x64xi32, #tpu.memory_space<vmem>>
    %dma_start3A_7 = arith.constant 0 : i32
    %dma_start3A_8 = arith.constant 0 : i32
    %dma_start3A_9 = tpu.memref_slice %arg3[%add3A, %dma_start3A_7, %dma_start3A_8] : memref<32x160x64xi32, #tpu.memory_space<hbm>> -> memref<1x8x64xi32, #tpu.memory_space<hbm>>
    %dma_start3A_10 = tpu.memref_squeeze %dma_start3A_9 : memref<1x8x64xi32, #tpu.memory_space<hbm>> -> memref<8x64xi32, #tpu.memory_space<hbm>>
    %dma_start3A_11 = arith.constant 0 : i32
    %dma_start3A_12 = arith.constant 0 : i32
    %dma_start3A_13 = tpu.memref_slice %arg7[%dma_start3A, %dma_start3A_11, %dma_start3A_12] : memref<3x8x64xi32, #tpu.memory_space<vmem>> -> memref<1x8x64xi32, #tpu.memory_space<vmem>>
    %dma_start3A_14 = tpu.memref_squeeze %dma_start3A_13 : memref<1x8x64xi32, #tpu.memory_space<vmem>> -> memref<8x64xi32, #tpu.memory_space<vmem>>
    %dma_start3A_15 = arith.constant 0 : i32
    %dma_start3A_16 = arith.constant 0 : i32
    %dma_start3A_17 = tpu.memref_slice %arg3[%add3A, %dma_start3A_15, %dma_start3A_16] : memref<32x160x64xi32, #tpu.memory_space<hbm>> -> memref<1x8x64xi32, #tpu.memory_space<hbm>>
    %dma_start3A_18 = tpu.memref_squeeze %dma_start3A_17 : memref<1x8x64xi32, #tpu.memory_space<hbm>> -> memref<8x64xi32, #tpu.memory_space<hbm>>
    tpu.enqueue_dma source(%dma_start3A_18 : memref<8x64xi32, #tpu.memory_space<hbm>>) target(%dma_start3A_14 : memref<8x64xi32, #tpu.memory_space<vmem>>) target_semaphore(%arg18 : memref<!tpu.dma_semaphore, #tpu.memory_space<semaphore_mem>>)
    %dma_start3A_19 = arith.constant 0 : i32
    %dma_start3A_20 = arith.constant 0 : i32
    %dma_start3A_21 = arith.constant 0 : i32
    %dma_start3A_22 = tpu.memref_slice %arg8[%dma_start3A_19, %dma_start3A_20, %dma_start3A_21] : memref<3x8x64xi32, #tpu.memory_space<vmem>> -> memref<1x8x64xi32, #tpu.memory_space<vmem>>
    %dma_start3A_23 = tpu.memref_squeeze %dma_start3A_22 : memref<1x8x64xi32, #tpu.memory_space<vmem>> -> memref<8x64xi32, #tpu.memory_space<vmem>>
    %dma_start3A_24 = arith.constant 0 : i32
    %dma_start3A_25 = arith.constant 0 : i32
    %dma_start3A_26 = tpu.memref_slice %arg4[%add3A, %dma_start3A_24, %dma_start3A_25] : memref<32x160x64xi32, #tpu.memory_space<hbm>> -> memref<1x8x64xi32, #tpu.memory_space<hbm>>
    %dma_start3A_27 = tpu.memref_squeeze %dma_start3A_26 : memref<1x8x64xi32, #tpu.memory_space<hbm>> -> memref<8x64xi32, #tpu.memory_space<hbm>>
    %dma_start3A_28 = arith.constant 0 : i32
    %dma_start3A_29 = arith.constant 0 : i32
    %dma_start3A_30 = tpu.memref_slice %arg8[%dma_start3A_19, %dma_start3A_28, %dma_start3A_29] : memref<3x8x64xi32, #tpu.memory_space<vmem>> -> memref<1x8x64xi32, #tpu.memory_space<vmem>>
    %dma_start3A_31 = tpu.memref_squeeze %dma_start3A_30 : memref<1x8x64xi32, #tpu.memory_space<vmem>> -> memref<8x64xi32, #tpu.memory_space<vmem>>
    %dma_start3A_32 = arith.constant 0 : i32
    %dma_start3A_33 = arith.constant 0 : i32
    %dma_start3A_34 = tpu.memref_slice %arg4[%add3A, %dma_start3A_32, %dma_start3A_33] : memref<32x160x64xi32, #tpu.memory_space<hbm>> -> memref<1x8x64xi32, #tpu.memory_space<hbm>>
    %dma_start3A_35 = tpu.memref_squeeze %dma_start3A_34 : memref<1x8x64xi32, #tpu.memory_space<hbm>> -> memref<8x64xi32, #tpu.memory_space<hbm>>
    tpu.enqueue_dma source(%dma_start3A_35 : memref<8x64xi32, #tpu.memory_space<hbm>>) target(%dma_start3A_31 : memref<8x64xi32, #tpu.memory_space<vmem>>) target_semaphore(%arg18 : memref<!tpu.dma_semaphore, #tpu.memory_space<semaphore_mem>>)
    %dma_start3A_36 = arith.constant 1 : i32
    %dma_start3A_37 = arith.constant 0 : i32
    %dma_start3A_38 = arith.constant 0 : i32
    %dma_start3A_39 = tpu.memref_slice %arg7[%dma_start3A_36, %dma_start3A_37, %dma_start3A_38] : memref<3x8x64xi32, #tpu.memory_space<vmem>> -> memref<1x8x64xi32, #tpu.memory_space<vmem>>
    %dma_start3A_40 = tpu.memref_squeeze %dma_start3A_39 : memref<1x8x64xi32, #tpu.memory_space<vmem>> -> memref<8x64xi32, #tpu.memory_space<vmem>>
    %dma_start3A_41 = arith.constant 8 : i32
    %dma_start3A_42 = arith.constant 0 : i32
    %dma_start3A_43 = tpu.memref_slice %arg3[%add3A, %dma_start3A_41, %dma_start3A_42] : memref<32x160x64xi32, #tpu.memory_space<hbm>> -> memref<1x8x64xi32, #tpu.memory_space<hbm>>
    %dma_start3A_44 = tpu.memref_squeeze %dma_start3A_43 : memref<1x8x64xi32, #tpu.memory_space<hbm>> -> memref<8x64xi32, #tpu.memory_space<hbm>>
    %dma_start3A_45 = arith.constant 0 : i32
    %dma_start3A_46 = arith.constant 0 : i32
    %dma_start3A_47 = tpu.memref_slice %arg7[%dma_start3A_36, %dma_start3A_45, %dma_start3A_46] : memref<3x8x64xi32, #tpu.memory_space<vmem>> -> memref<1x8x64xi32, #tpu.memory_space<vmem>>
    %dma_start3A_48 = tpu.memref_squeeze %dma_start3A_47 : memref<1x8x64xi32, #tpu.memory_space<vmem>> -> memref<8x64xi32, #tpu.memory_space<vmem>>
    %dma_start3A_49 = arith.constant 8 : i32
    %dma_start3A_50 = arith.constant 0 : i32
    %dma_start3A_51 = tpu.memref_slice %arg3[%add3A, %dma_start3A_49, %dma_start3A_50] : memref<32x160x64xi32, #tpu.memory_space<hbm>> -> memref<1x8x64xi32, #tpu.memory_space<hbm>>
    %dma_start3A_52 = tpu.memref_squeeze %dma_start3A_51 : memref<1x8x64xi32, #tpu.memory_space<hbm>> -> memref<8x64xi32, #tpu.memory_space<hbm>>
    tpu.enqueue_dma source(%dma_start3A_52 : memref<8x64xi32, #tpu.memory_space<hbm>>) target(%dma_start3A_48 : memref<8x64xi32, #tpu.memory_space<vmem>>) target_semaphore(%arg18 : memref<!tpu.dma_semaphore, #tpu.memory_space<semaphore_mem>>)
    %dma_start3A_53 = arith.constant 1 : i32
    %dma_start3A_54 = arith.constant 0 : i32
    %dma_start3A_55 = arith.constant 0 : i32
    %dma_start3A_56 = tpu.memref_slice %arg8[%dma_start3A_53, %dma_start3A_54, %dma_start3A_55] : memref<3x8x64xi32, #tpu.memory_space<vmem>> -> memref<1x8x64xi32, #tpu.memory_space<vmem>>
    %dma_start3A_57 = tpu.memref_squeeze %dma_start3A_56 : memref<1x8x64xi32, #tpu.memory_space<vmem>> -> memref<8x64xi32, #tpu.memory_space<vmem>>
    %dma_start3A_58 = arith.constant 8 : i32
    %dma_start3A_59 = arith.constant 0 : i32
    %dma_start3A_60 = tpu.memref_slice %arg4[%add3A, %dma_start3A_58, %dma_start3A_59] : memref<32x160x64xi32, #tpu.memory_space<hbm>> -> memref<1x8x64xi32, #tpu.memory_space<hbm>>
    %dma_start3A_61 = tpu.memref_squeeze %dma_start3A_60 : memref<1x8x64xi32, #tpu.memory_space<hbm>> -> memref<8x64xi32, #tpu.memory_space<hbm>>
    %dma_start3A_62 = arith.constant 0 : i32
    %dma_start3A_63 = arith.constant 0 : i32
    %dma_start3A_64 = tpu.memref_slice %arg8[%dma_start3A_53, %dma_start3A_62, %dma_start3A_63] : memref<3x8x64xi32, #tpu.memory_space<vmem>> -> memref<1x8x64xi32, #tpu.memory_space<vmem>>
    %dma_start3A_65 = tpu.memref_squeeze %dma_start3A_64 : memref<1x8x64xi32, #tpu.memory_space<vmem>> -> memref<8x64xi32, #tpu.memory_space<vmem>>
    %dma_start3A_66 = arith.constant 8 : i32
    %dma_start3A_67 = arith.constant 0 : i32
    %dma_start3A_68 = tpu.memref_slice %arg4[%add3A, %dma_start3A_66, %dma_start3A_67] : memref<32x160x64xi32, #tpu.memory_space<hbm>> -> memref<1x8x64xi32, #tpu.memory_space<hbm>>
    %dma_start3A_69 = tpu.memref_squeeze %dma_start3A_68 : memref<1x8x64xi32, #tpu.memory_space<hbm>> -> memref<8x64xi32, #tpu.memory_space<hbm>>
    tpu.enqueue_dma source(%dma_start3A_69 : memref<8x64xi32, #tpu.memory_space<hbm>>) target(%dma_start3A_65 : memref<8x64xi32, #tpu.memory_space<vmem>>) target_semaphore(%arg18 : memref<!tpu.dma_semaphore, #tpu.memory_space<semaphore_mem>>)
    %dma_start3A_70 = arith.constant 2 : i32
    %dma_start3A_71 = arith.constant 0 : i32
    %dma_start3A_72 = arith.constant 0 : i32
    %dma_start3A_73 = tpu.memref_slice %arg7[%dma_start3A_70, %dma_start3A_71, %dma_start3A_72] : memref<3x8x64xi32, #tpu.memory_space<vmem>> -> memref<1x8x64xi32, #tpu.memory_space<vmem>>
    %dma_start3A_74 = tpu.memref_squeeze %dma_start3A_73 : memref<1x8x64xi32, #tpu.memory_space<vmem>> -> memref<8x64xi32, #tpu.memory_space<vmem>>
    %dma_start3A_75 = arith.constant 16 : i32
    %dma_start3A_76 = arith.constant 0 : i32
    %dma_start3A_77 = tpu.memref_slice %arg3[%add3A, %dma_start3A_75, %dma_start3A_76] : memref<32x160x64xi32, #tpu.memory_space<hbm>> -> memref<1x8x64xi32, #tpu.memory_space<hbm>>
    %dma_start3A_78 = tpu.memref_squeeze %dma_start3A_77 : memref<1x8x64xi32, #tpu.memory_space<hbm>> -> memref<8x64xi32, #tpu.memory_space<hbm>>
    %dma_start3A_79 = arith.constant 0 : i32
    %dma_start3A_80 = arith.constant 0 : i32
    %dma_start3A_81 = tpu.memref_slice %arg7[%dma_start3A_70, %dma_start3A_79, %dma_start3A_80] : memref<3x8x64xi32, #tpu.memory_space<vmem>> -> memref<1x8x64xi32, #tpu.memory_space<vmem>>
    %dma_start3A_82 = tpu.memref_squeeze %dma_start3A_81 : memref<1x8x64xi32, #tpu.memory_space<vmem>> -> memref<8x64xi32, #tpu.memory_space<vmem>>
    %dma_start3A_83 = arith.constant 16 : i32
    %dma_start3A_84 = arith.constant 0 : i32
    %dma_start3A_85 = tpu.memref_slice %arg3[%add3A, %dma_start3A_83, %dma_start3A_84] : memref<32x160x64xi32, #tpu.memory_space<hbm>> -> memref<1x8x64xi32, #tpu.memory_space<hbm>>
    %dma_start3A_86 = tpu.memref_squeeze %dma_start3A_85 : memref<1x8x64xi32, #tpu.memory_space<hbm>> -> memref<8x64xi32, #tpu.memory_space<hbm>>
    tpu.enqueue_dma source(%dma_start3A_86 : memref<8x64xi32, #tpu.memory_space<hbm>>) target(%dma_start3A_82 : memref<8x64xi32, #tpu.memory_space<vmem>>) target_semaphore(%arg18 : memref<!tpu.dma_semaphore, #tpu.memory_space<semaphore_mem>>)
    %dma_start3A_87 = arith.constant 2 : i32
    %dma_start3A_88 = arith.constant 0 : i32
    %dma_start3A_89 = arith.constant 0 : i32
    %dma_start3A_90 = tpu.memref_slice %arg8[%dma_start3A_87, %dma_start3A_88, %dma_start3A_89] : memref<3x8x64xi32, #tpu.memory_space<vmem>> -> memref<1x8x64xi32, #tpu.memory_space<vmem>>
    %dma_start3A_91 = tpu.memref_squeeze %dma_start3A_90 : memref<1x8x64xi32, #tpu.memory_space<vmem>> -> memref<8x64xi32, #tpu.memory_space<vmem>>
    %dma_start3A_92 = arith.constant 16 : i32
    %dma_start3A_93 = arith.constant 0 : i32
    %dma_start3A_94 = tpu.memref_slice %arg4[%add3A, %dma_start3A_92, %dma_start3A_93] : memref<32x160x64xi32, #tpu.memory_space<hbm>> -> memref<1x8x64xi32, #tpu.memory_space<hbm>>
    %dma_start3A_95 = tpu.memref_squeeze %dma_start3A_94 : memref<1x8x64xi32, #tpu.memory_space<hbm>> -> memref<8x64xi32, #tpu.memory_space<hbm>>
    %dma_start3A_96 = arith.constant 0 : i32
    %dma_start3A_97 = arith.constant 0 : i32
    %dma_start3A_98 = tpu.memref_slice %arg8[%dma_start3A_87, %dma_start3A_96, %dma_start3A_97] : memref<3x8x64xi32, #tpu.memory_space<vmem>> -> memref<1x8x64xi32, #tpu.memory_space<vmem>>
    %dma_start3A_99 = tpu.memref_squeeze %dma_start3A_98 : memref<1x8x64xi32, #tpu.memory_space<vmem>> -> memref<8x64xi32, #tpu.memory_space<vmem>>
    %dma_start3A_100 = arith.constant 16 : i32
    %dma_start3A_101 = arith.constant 0 : i32
    %dma_start3A_102 = tpu.memref_slice %arg4[%add3A, %dma_start3A_100, %dma_start3A_101] : memref<32x160x64xi32, #tpu.memory_space<hbm>> -> memref<1x8x64xi32, #tpu.memory_space<hbm>>
    %dma_start3A_103 = tpu.memref_squeeze %dma_start3A_102 : memref<1x8x64xi32, #tpu.memory_space<hbm>> -> memref<8x64xi32, #tpu.memory_space<hbm>>
    tpu.enqueue_dma source(%dma_start3A_103 : memref<8x64xi32, #tpu.memory_space<hbm>>) target(%dma_start3A_99 : memref<8x64xi32, #tpu.memory_space<vmem>>) target_semaphore(%arg18 : memref<!tpu.dma_semaphore, #tpu.memory_space<semaphore_mem>>)
    %dma_wait3A = arith.constant 0 : i32
    %dma_wait3A_104 = arith.constant 0 : i32
    %dma_wait3A_105 = arith.constant 0 : i32
    %dma_wait3A_106 = tpu.memref_slice %arg7[%dma_wait3A, %dma_wait3A_104, %dma_wait3A_105] : memref<3x8x64xi32, #tpu.memory_space<vmem>> -> memref<1x8x64xi32, #tpu.memory_space<vmem>>
    %dma_wait3A_107 = tpu.memref_squeeze %dma_wait3A_106 : memref<1x8x64xi32, #tpu.memory_space<vmem>> -> memref<8x64xi32, #tpu.memory_space<vmem>>
    %dma_wait3A_108 = arith.constant 0 : i32
    %dma_wait3A_109 = arith.constant 0 : i32
    %dma_wait3A_110 = tpu.memref_slice %arg3[%add3A, %dma_wait3A_108, %dma_wait3A_109] : memref<32x160x64xi32, #tpu.memory_space<hbm>> -> memref<1x8x64xi32, #tpu.memory_space<hbm>>
    %dma_wait3A_111 = tpu.memref_squeeze %dma_wait3A_110 : memref<1x8x64xi32, #tpu.memory_space<hbm>> -> memref<8x64xi32, #tpu.memory_space<hbm>>
    %dma_wait3A_112 = arith.constant 0 : i32
    %dma_wait3A_113 = arith.constant 0 : i32
    %dma_wait3A_114 = tpu.memref_slice %arg7[%dma_wait3A, %dma_wait3A_112, %dma_wait3A_113] : memref<3x8x64xi32, #tpu.memory_space<vmem>> -> memref<1x8x64xi32, #tpu.memory_space<vmem>>
    %dma_wait3A_115 = tpu.memref_squeeze %dma_wait3A_114 : memref<1x8x64xi32, #tpu.memory_space<vmem>> -> memref<8x64xi32, #tpu.memory_space<vmem>>
    %dma_wait3A_116 = arith.constant 0 : i32
    %dma_wait3A_117 = arith.constant 0 : i32
    %dma_wait3A_118 = tpu.memref_slice %arg3[%add3A, %dma_wait3A_116, %dma_wait3A_117] : memref<32x160x64xi32, #tpu.memory_space<hbm>> -> memref<1x8x64xi32, #tpu.memory_space<hbm>>
    %dma_wait3A_119 = tpu.memref_squeeze %dma_wait3A_118 : memref<1x8x64xi32, #tpu.memory_space<hbm>> -> memref<8x64xi32, #tpu.memory_space<hbm>>
    tpu.wait_dma2 semaphore(%arg18 : memref<!tpu.dma_semaphore, #tpu.memory_space<semaphore_mem>>) src(%dma_wait3A_119 : memref<8x64xi32, #tpu.memory_space<hbm>>) dst(%dma_wait3A_115 : memref<8x64xi32, #tpu.memory_space<vmem>>)
    %dma_wait3A_120 = arith.constant 0 : i32
    %dma_wait3A_121 = arith.constant 0 : i32
    %dma_wait3A_122 = arith.constant 0 : i32
    %dma_wait3A_123 = tpu.memref_slice %arg8[%dma_wait3A_120, %dma_wait3A_121, %dma_wait3A_122] : memref<3x8x64xi32, #tpu.memory_space<vmem>> -> memref<1x8x64xi32, #tpu.memory_space<vmem>>
    %dma_wait3A_124 = tpu.memref_squeeze %dma_wait3A_123 : memref<1x8x64xi32, #tpu.memory_space<vmem>> -> memref<8x64xi32, #tpu.memory_space<vmem>>
    %dma_wait3A_125 = arith.constant 0 : i32
    %dma_wait3A_126 = arith.constant 0 : i32
    %dma_wait3A_127 = tpu.memref_slice %arg4[%add3A, %dma_wait3A_125, %dma_wait3A_126] : memref<32x160x64xi32, #tpu.memory_space<hbm>> -> memref<1x8x64xi32, #tpu.memory_space<hbm>>
    %dma_wait3A_128 = tpu.memref_squeeze %dma_wait3A_127 : memref<1x8x64xi32, #tpu.memory_space<hbm>> -> memref<8x64xi32, #tpu.memory_space<hbm>>
    %dma_wait3A_129 = arith.constant 0 : i32
    %dma_wait3A_130 = arith.constant 0 : i32
    %dma_wait3A_131 = tpu.memref_slice %arg8[%dma_wait3A_120, %dma_wait3A_129, %dma_wait3A_130] : memref<3x8x64xi32, #tpu.memory_space<vmem>> -> memref<1x8x64xi32, #tpu.memory_space<vmem>>
    %dma_wait3A_132 = tpu.memref_squeeze %dma_wait3A_131 : memref<1x8x64xi32, #tpu.memory_space<vmem>> -> memref<8x64xi32, #tpu.memory_space<vmem>>
    %dma_wait3A_133 = arith.constant 0 : i32
    %dma_wait3A_134 = arith.constant 0 : i32
    %dma_wait3A_135 = tpu.memref_slice %arg4[%add3A, %dma_wait3A_133, %dma_wait3A_134] : memref<32x160x64xi32, #tpu.memory_space<hbm>> -> memref<1x8x64xi32, #tpu.memory_space<hbm>>
    %dma_wait3A_136 = tpu.memref_squeeze %dma_wait3A_135 : memref<1x8x64xi32, #tpu.memory_space<hbm>> -> memref<8x64xi32, #tpu.memory_space<hbm>>
    tpu.wait_dma2 semaphore(%arg18 : memref<!tpu.dma_semaphore, #tpu.memory_space<semaphore_mem>>) src(%dma_wait3A_136 : memref<8x64xi32, #tpu.memory_space<hbm>>) dst(%dma_wait3A_132 : memref<8x64xi32, #tpu.memory_space<vmem>>)
    %dma_start3A_137 = arith.constant 0 : i32
    %dma_start3A_138 = arith.constant 0 : i32
    %dma_start3A_139 = arith.constant 0 : i32
    %dma_start3A_140 = tpu.memref_slice %arg7[%dma_start3A_137, %dma_start3A_138, %dma_start3A_139] : memref<3x8x64xi32, #tpu.memory_space<vmem>> -> memref<1x1x64xi32, #tpu.memory_space<vmem>>
    %dma_start3A_141 = tpu.memref_squeeze %dma_start3A_140 : memref<1x1x64xi32, #tpu.memory_space<vmem>> -> memref<64xi32, #tpu.memory_space<vmem>>
    %dma_start3A_142 = arith.constant 0 : i32
    %dma_start3A_143 = arith.constant 0 : i32
    %dma_start3A_144 = tpu.memref_slice %arg2[%dma_start3A_142, %dma_start3A_143] : memref<10000x128xf32, #tpu.memory_space<hbm>> -> memref<10000x128xf32, #tpu.memory_space<hbm>>
    %dma_start3A_145 = arith.constant -1 : i32
    tpu.enqueue_indirect_dma source(%dma_start3A_144 : memref<10000x128xf32, #tpu.memory_space<hbm>>) target(%arg9 : memref<64x128xf32, #tpu.memory_space<vmem>>) offsets(%dma_start3A_141 : memref<64xi32, #tpu.memory_space<vmem>>) offset_filter(%dma_start3A_145) semaphore(%arg14 : memref<!tpu.dma_semaphore, #tpu.memory_space<semaphore_mem>>)
    %dma_start3A_146 = arith.constant 0 : i32
    %dma_start3A_147 = arith.constant 1 : i32
    %dma_start3A_148 = arith.constant 0 : i32
    %dma_start3A_149 = tpu.memref_slice %arg7[%dma_start3A_146, %dma_start3A_147, %dma_start3A_148] : memref<3x8x64xi32, #tpu.memory_space<vmem>> -> memref<1x1x64xi32, #tpu.memory_space<vmem>>
    %dma_start3A_150 = tpu.memref_squeeze %dma_start3A_149 : memref<1x1x64xi32, #tpu.memory_space<vmem>> -> memref<64xi32, #tpu.memory_space<vmem>>
    %dma_start3A_151 = arith.constant 0 : i32
    %dma_start3A_152 = arith.constant 0 : i32
    %dma_start3A_153 = tpu.memref_slice %arg2[%dma_start3A_151, %dma_start3A_152] : memref<10000x128xf32, #tpu.memory_space<hbm>> -> memref<10000x128xf32, #tpu.memory_space<hbm>>
    %dma_start3A_154 = arith.constant -1 : i32
    tpu.enqueue_indirect_dma source(%dma_start3A_153 : memref<10000x128xf32, #tpu.memory_space<hbm>>) target(%arg10 : memref<64x128xf32, #tpu.memory_space<vmem>>) offsets(%dma_start3A_150 : memref<64xi32, #tpu.memory_space<vmem>>) offset_filter(%dma_start3A_154) semaphore(%arg15 : memref<!tpu.dma_semaphore, #tpu.memory_space<semaphore_mem>>)
    %dma_start3A_155 = arith.constant 0 : i32
    %dma_start3A_156 = arith.constant 2 : i32
    %dma_start3A_157 = arith.constant 0 : i32
    %dma_start3A_158 = tpu.memref_slice %arg7[%dma_start3A_155, %dma_start3A_156, %dma_start3A_157] : memref<3x8x64xi32, #tpu.memory_space<vmem>> -> memref<1x1x64xi32, #tpu.memory_space<vmem>>
    %dma_start3A_159 = tpu.memref_squeeze %dma_start3A_158 : memref<1x1x64xi32, #tpu.memory_space<vmem>> -> memref<64xi32, #tpu.memory_space<vmem>>
    %dma_start3A_160 = arith.constant 0 : i32
    %dma_start3A_161 = arith.constant 0 : i32
    %dma_start3A_162 = tpu.memref_slice %arg2[%dma_start3A_160, %dma_start3A_161] : memref<10000x128xf32, #tpu.memory_space<hbm>> -> memref<10000x128xf32, #tpu.memory_space<hbm>>
    %dma_start3A_163 = arith.constant -1 : i32
    tpu.enqueue_indirect_dma source(%dma_start3A_162 : memref<10000x128xf32, #tpu.memory_space<hbm>>) target(%arg11 : memref<64x128xf32, #tpu.memory_space<vmem>>) offsets(%dma_start3A_159 : memref<64xi32, #tpu.memory_space<vmem>>) offset_filter(%dma_start3A_163) semaphore(%arg16 : memref<!tpu.dma_semaphore, #tpu.memory_space<semaphore_mem>>)
    %scan3A = arith.constant 0 : i32
    %scan3A_164 = arith.constant 0 : i32
    %scan3A_165 = arith.constant 20 : i32
    %scan3A_166 = arith.addi %scan3A_164, %scan3A_165 : i32
    %scan3A_167 = arith.constant 1 : i32
    scf.for %scan3A_174 = %scan3A_164 to %scan3A_166 step %scan3A_167  : i32 {
      %jit3A = arith.constant 3 : i32
      %eq3A = arith.constant 0 : i32
      %eq3A_175 = arith.cmpi eq, %jit3A, %eq3A : i32
      %jit3A_176 = arith.constant 1 : i32
      %select_n3A = arith.select %eq3A_175, %jit3A_176, %jit3A : i32
      %rem3A = arith.remsi %scan3A_174, %select_n3A : i32
      %ne3A = arith.constant 0 : i32
      %ne3A_177 = arith.cmpi ne, %rem3A, %ne3A : i32
      %lt3A = arith.constant 0 : i32
      %lt3A_178 = arith.cmpi slt, %rem3A, %lt3A : i32
      %lt3A_179 = arith.constant 0 : i32
      %lt3A_180 = arith.cmpi slt, %select_n3A, %lt3A_179 : i32
      %ne3A_181 = arith.xori %lt3A_178, %lt3A_180 : i1
      %and3A = arith.andi %ne3A_181, %ne3A_177 : i1
      %add3A_182 = arith.addi %rem3A, %select_n3A : i32
      %select_n3A_183 = arith.select %and3A, %add3A_182, %rem3A : i32
      %add3A_184 = arith.constant 1 : i32
      %add3A_185 = arith.addi %scan3A_174, %add3A_184 : i32
      %jit3A_186 = arith.constant 3 : i32
      %eq3A_187 = arith.constant 0 : i32
      %eq3A_188 = arith.cmpi eq, %jit3A_186, %eq3A_187 : i32
      %jit3A_189 = arith.constant 1 : i32
      %select_n3A_190 = arith.select %eq3A_188, %jit3A_189, %jit3A_186 : i32
      %rem3A_191 = arith.remsi %add3A_185, %select_n3A_190 : i32
      %ne3A_192 = arith.constant 0 : i32
      %ne3A_193 = arith.cmpi ne, %rem3A_191, %ne3A_192 : i32
      %lt3A_194 = arith.constant 0 : i32
      %lt3A_195 = arith.cmpi slt, %rem3A_191, %lt3A_194 : i32
      %lt3A_196 = arith.constant 0 : i32
      %lt3A_197 = arith.cmpi slt, %select_n3A_190, %lt3A_196 : i32
      %ne3A_198 = arith.xori %lt3A_195, %lt3A_197 : i1
      %and3A_199 = arith.andi %ne3A_198, %ne3A_193 : i1
      %add3A_200 = arith.addi %rem3A_191, %select_n3A_190 : i32
      %select_n3A_201 = arith.select %and3A_199, %add3A_200, %rem3A_191 : i32
      %add3A_202 = arith.constant 1 : i32
      %add3A_203 = arith.addi %scan3A_174, %add3A_202 : i32
      %lt3A_204 = arith.constant 20 : i32
      %lt3A_205 = arith.cmpi slt, %add3A_203, %lt3A_204 : i32
      %convert_element_type3A = arith.extui %lt3A_205 : i1 to i32
      %cond3A = arith.constant 0 : i32
      %cond3A_206 = arith.cmpi ne, %convert_element_type3A, %cond3A : i32
      scf.if %cond3A_206 {
        %dma_wait3A_380 = arith.constant 0 : i32
        %dma_wait3A_381 = arith.constant 0 : i32
        %dma_wait3A_382 = arith.constant 0 : i32
        %dma_wait3A_383 = tpu.memref_slice %arg7[%dma_wait3A_380, %dma_wait3A_381, %dma_wait3A_382] : memref<3x8x64xi32, #tpu.memory_space<vmem>> -> memref<1x8x64xi32, #tpu.memory_space<vmem>>
        %dma_wait3A_384 = tpu.memref_squeeze %dma_wait3A_383 : memref<1x8x64xi32, #tpu.memory_space<vmem>> -> memref<8x64xi32, #tpu.memory_space<vmem>>
        %dma_wait3A_385 = arith.constant 0 : i32
        %dma_wait3A_386 = arith.constant 0 : i32
        %dma_wait3A_387 = tpu.memref_slice %arg3[%add3A, %dma_wait3A_385, %dma_wait3A_386] : memref<32x160x64xi32, #tpu.memory_space<hbm>> -> memref<1x8x64xi32, #tpu.memory_space<hbm>>
        %dma_wait3A_388 = tpu.memref_squeeze %dma_wait3A_387 : memref<1x8x64xi32, #tpu.memory_space<hbm>> -> memref<8x64xi32, #tpu.memory_space<hbm>>
        %dma_wait3A_389 = arith.constant 0 : i32
        %dma_wait3A_390 = arith.constant 0 : i32
        %dma_wait3A_391 = tpu.memref_slice %arg7[%dma_wait3A_380, %dma_wait3A_389, %dma_wait3A_390] : memref<3x8x64xi32, #tpu.memory_space<vmem>> -> memref<1x8x64xi32, #tpu.memory_space<vmem>>
        %dma_wait3A_392 = tpu.memref_squeeze %dma_wait3A_391 : memref<1x8x64xi32, #tpu.memory_space<vmem>> -> memref<8x64xi32, #tpu.memory_space<vmem>>
        %dma_wait3A_393 = arith.constant 0 : i32
        %dma_wait3A_394 = arith.constant 0 : i32
        %dma_wait3A_395 = tpu.memref_slice %arg3[%add3A, %dma_wait3A_393, %dma_wait3A_394] : memref<32x160x64xi32, #tpu.memory_space<hbm>> -> memref<1x8x64xi32, #tpu.memory_space<hbm>>
        %dma_wait3A_396 = tpu.memref_squeeze %dma_wait3A_395 : memref<1x8x64xi32, #tpu.memory_space<hbm>> -> memref<8x64xi32, #tpu.memory_space<hbm>>
        tpu.wait_dma2 semaphore(%arg18 : memref<!tpu.dma_semaphore, #tpu.memory_space<semaphore_mem>>) src(%dma_wait3A_396 : memref<8x64xi32, #tpu.memory_space<hbm>>) dst(%dma_wait3A_392 : memref<8x64xi32, #tpu.memory_space<vmem>>)
        %dma_wait3A_397 = arith.constant 0 : i32
        %dma_wait3A_398 = arith.constant 0 : i32
        %dma_wait3A_399 = arith.constant 0 : i32
        %dma_wait3A_400 = tpu.memref_slice %arg8[%dma_wait3A_397, %dma_wait3A_398, %dma_wait3A_399] : memref<3x8x64xi32, #tpu.memory_space<vmem>> -> memref<1x8x64xi32, #tpu.memory_space<vmem>>
        %dma_wait3A_401 = tpu.memref_squeeze %dma_wait3A_400 : memref<1x8x64xi32, #tpu.memory_space<vmem>> -> memref<8x64xi32, #tpu.memory_space<vmem>>
        %dma_wait3A_402 = arith.constant 0 : i32
        %dma_wait3A_403 = arith.constant 0 : i32
        %dma_wait3A_404 = tpu.memref_slice %arg4[%add3A, %dma_wait3A_402, %dma_wait3A_403] : memref<32x160x64xi32, #tpu.memory_space<hbm>> -> memref<1x8x64xi32, #tpu.memory_space<hbm>>
        %dma_wait3A_405 = tpu.memref_squeeze %dma_wait3A_404 : memref<1x8x64xi32, #tpu.memory_space<hbm>> -> memref<8x64xi32, #tpu.memory_space<hbm>>
        %dma_wait3A_406 = arith.constant 0 : i32
        %dma_wait3A_407 = arith.constant 0 : i32
        %dma_wait3A_408 = tpu.memref_slice %arg8[%dma_wait3A_397, %dma_wait3A_406, %dma_wait3A_407] : memref<3x8x64xi32, #tpu.memory_space<vmem>> -> memref<1x8x64xi32, #tpu.memory_space<vmem>>
        %dma_wait3A_409 = tpu.memref_squeeze %dma_wait3A_408 : memref<1x8x64xi32, #tpu.memory_space<vmem>> -> memref<8x64xi32, #tpu.memory_space<vmem>>
        %dma_wait3A_410 = arith.constant 0 : i32
        %dma_wait3A_411 = arith.constant 0 : i32
        %dma_wait3A_412 = tpu.memref_slice %arg4[%add3A, %dma_wait3A_410, %dma_wait3A_411] : memref<32x160x64xi32, #tpu.memory_space<hbm>> -> memref<1x8x64xi32, #tpu.memory_space<hbm>>
        %dma_wait3A_413 = tpu.memref_squeeze %dma_wait3A_412 : memref<1x8x64xi32, #tpu.memory_space<hbm>> -> memref<8x64xi32, #tpu.memory_space<hbm>>
        tpu.wait_dma2 semaphore(%arg18 : memref<!tpu.dma_semaphore, #tpu.memory_space<semaphore_mem>>) src(%dma_wait3A_413 : memref<8x64xi32, #tpu.memory_space<hbm>>) dst(%dma_wait3A_409 : memref<8x64xi32, #tpu.memory_space<vmem>>)
      } else {
      }
      %dma_wait3A_207 = arith.constant 0 : i32
      %dma_wait3A_208 = arith.constant 0 : i32
      %dma_wait3A_209 = tpu.memref_slice %arg7[%select_n3A_183, %dma_wait3A_207, %dma_wait3A_208] : memref<3x8x64xi32, #tpu.memory_space<vmem>> -> memref<1x1x64xi32, #tpu.memory_space<vmem>>
      %dma_wait3A_210 = tpu.memref_squeeze %dma_wait3A_209 : memref<1x1x64xi32, #tpu.memory_space<vmem>> -> memref<64xi32, #tpu.memory_space<vmem>>
      %dma_wait3A_211 = arith.constant 0 : i32
      %dma_wait3A_212 = arith.constant 0 : i32
      %dma_wait3A_213 = tpu.memref_slice %arg2[%dma_wait3A_211, %dma_wait3A_212] : memref<10000x128xf32, #tpu.memory_space<hbm>> -> memref<10000x128xf32, #tpu.memory_space<hbm>>
      tpu.wait_indirect_dma semaphore(%arg14 : memref<!tpu.dma_semaphore, #tpu.memory_space<semaphore_mem>>) src(%dma_wait3A_213 : memref<10000x128xf32, #tpu.memory_space<hbm>>) dst(%arg9 : memref<64x128xf32, #tpu.memory_space<vmem>>)
      %run_scoped3A = arith.constant 0 : i32
      "tpu.region"() ({
        %run_scoped3A_380 = tpu.sem_alloc : memref<!tpu.dma_semaphore, #tpu.memory_space<semaphore_mem>>
        %dma_start3A_381 = arith.constant 0 : i32
        %dma_start3A_382 = tpu.memref_slice %arg8[%select_n3A_183, %run_scoped3A, %dma_start3A_381] : memref<3x8x64xi32, #tpu.memory_space<vmem>> -> memref<1x1x64xi32, #tpu.memory_space<vmem>>
        %dma_start3A_383 = tpu.memref_squeeze %dma_start3A_382 : memref<1x1x64xi32, #tpu.memory_space<vmem>> -> memref<64xi32, #tpu.memory_space<vmem>>
        %dma_start3A_384 = arith.constant 0 : i32
        %dma_start3A_385 = arith.constant 0 : i32
        %dma_start3A_386 = tpu.memref_slice %arg13[%dma_start3A_384, %dma_start3A_385] : memref<10112x128xf32, #tpu.memory_space<vmem_shared>> -> memref<10112x128xf32, #tpu.memory_space<vmem_shared>>
        %dma_start3A_387 = arith.constant -1 : i32
        tpu.enqueue_indirect_dma source(%arg9 : memref<64x128xf32, #tpu.memory_space<vmem>>) target(%dma_start3A_386 : memref<10112x128xf32, #tpu.memory_space<vmem_shared>>) offsets(%dma_start3A_383 : memref<64xi32, #tpu.memory_space<vmem>>) offset_filter(%dma_start3A_387) semaphore(%run_scoped3A_380 : memref<!tpu.dma_semaphore, #tpu.memory_space<semaphore_mem>>) {add = true}
        %dma_wait3A_388 = arith.constant 0 : i32
        %dma_wait3A_389 = tpu.memref_slice %arg8[%select_n3A_183, %run_scoped3A, %dma_wait3A_388] : memref<3x8x64xi32, #tpu.memory_space<vmem>> -> memref<1x1x64xi32, #tpu.memory_space<vmem>>
        %dma_wait3A_390 = tpu.memref_squeeze %dma_wait3A_389 : memref<1x1x64xi32, #tpu.memory_space<vmem>> -> memref<64xi32, #tpu.memory_space<vmem>>
        %dma_wait3A_391 = arith.constant 0 : i32
        %dma_wait3A_392 = arith.constant 0 : i32
        %dma_wait3A_393 = tpu.memref_slice %arg13[%dma_wait3A_391, %dma_wait3A_392] : memref<10112x128xf32, #tpu.memory_space<vmem_shared>> -> memref<10112x128xf32, #tpu.memory_space<vmem_shared>>
        tpu.wait_indirect_dma semaphore(%run_scoped3A_380 : memref<!tpu.dma_semaphore, #tpu.memory_space<semaphore_mem>>) src(%arg9 : memref<64x128xf32, #tpu.memory_space<vmem>>) dst(%dma_wait3A_393 : memref<10112x128xf32, #tpu.memory_space<vmem_shared>>)
        tpu.yield
      }) : () -> ()
      %mul3A_214 = arith.constant 8 : i32
      %mul3A_215 = arith.muli %scan3A_174, %mul3A_214 : i32
      %add3A_216 = arith.constant 0 : i32
      %add3A_217 = arith.addi %mul3A_215, %add3A_216 : i32
      %add3A_218 = arith.constant 4 : i32
      %add3A_219 = arith.addi %add3A_217, %add3A_218 : i32
      %sub3A = arith.constant 1 : i32
      %sub3A_220 = arith.subi %add3A_219, %sub3A : i32
      %lt3A_221 = arith.constant 160 : i32
      %lt3A_222 = arith.cmpi slt, %sub3A_220, %lt3A_221 : i32
      %convert_element_type3A_223 = arith.extui %lt3A_222 : i1 to i32
      %cond3A_224 = arith.constant 0 : i32
      %cond3A_225 = arith.cmpi ne, %convert_element_type3A_223, %cond3A_224 : i32
      scf.if %cond3A_225 {
        %dma_start3A_380 = arith.constant 3 : i32
        %dma_start3A_381 = arith.constant 0 : i32
        %dma_start3A_382 = tpu.memref_slice %arg7[%select_n3A_183, %dma_start3A_380, %dma_start3A_381] : memref<3x8x64xi32, #tpu.memory_space<vmem>> -> memref<1x1x64xi32, #tpu.memory_space<vmem>>
        %dma_start3A_383 = tpu.memref_squeeze %dma_start3A_382 : memref<1x1x64xi32, #tpu.memory_space<vmem>> -> memref<64xi32, #tpu.memory_space<vmem>>
        %dma_start3A_384 = arith.constant 0 : i32
        %dma_start3A_385 = arith.constant 0 : i32
        %dma_start3A_386 = tpu.memref_slice %arg2[%dma_start3A_384, %dma_start3A_385] : memref<10000x128xf32, #tpu.memory_space<hbm>> -> memref<10000x128xf32, #tpu.memory_space<hbm>>
        %dma_start3A_387 = arith.constant -1 : i32
        tpu.enqueue_indirect_dma source(%dma_start3A_386 : memref<10000x128xf32, #tpu.memory_space<hbm>>) target(%arg12 : memref<64x128xf32, #tpu.memory_space<vmem>>) offsets(%dma_start3A_383 : memref<64xi32, #tpu.memory_space<vmem>>) offset_filter(%dma_start3A_387) semaphore(%arg17 : memref<!tpu.dma_semaphore, #tpu.memory_space<semaphore_mem>>)
      } else {
      }
      %dma_wait3A_226 = arith.constant 1 : i32
      %dma_wait3A_227 = arith.constant 0 : i32
      %dma_wait3A_228 = tpu.memref_slice %arg7[%select_n3A_183, %dma_wait3A_226, %dma_wait3A_227] : memref<3x8x64xi32, #tpu.memory_space<vmem>> -> memref<1x1x64xi32, #tpu.memory_space<vmem>>
      %dma_wait3A_229 = tpu.memref_squeeze %dma_wait3A_228 : memref<1x1x64xi32, #tpu.memory_space<vmem>> -> memref<64xi32, #tpu.memory_space<vmem>>
      %dma_wait3A_230 = arith.constant 0 : i32
      %dma_wait3A_231 = arith.constant 0 : i32
      %dma_wait3A_232 = tpu.memref_slice %arg2[%dma_wait3A_230, %dma_wait3A_231] : memref<10000x128xf32, #tpu.memory_space<hbm>> -> memref<10000x128xf32, #tpu.memory_space<hbm>>
      tpu.wait_indirect_dma semaphore(%arg15 : memref<!tpu.dma_semaphore, #tpu.memory_space<semaphore_mem>>) src(%dma_wait3A_232 : memref<10000x128xf32, #tpu.memory_space<hbm>>) dst(%arg10 : memref<64x128xf32, #tpu.memory_space<vmem>>)
      %run_scoped3A_233 = arith.constant 1 : i32
      "tpu.region"() ({
        %run_scoped3A_380 = tpu.sem_alloc : memref<!tpu.dma_semaphore, #tpu.memory_space<semaphore_mem>>
        %dma_start3A_381 = arith.constant 0 : i32
        %dma_start3A_382 = tpu.memref_slice %arg8[%select_n3A_183, %run_scoped3A_233, %dma_start3A_381] : memref<3x8x64xi32, #tpu.memory_space<vmem>> -> memref<1x1x64xi32, #tpu.memory_space<vmem>>
        %dma_start3A_383 = tpu.memref_squeeze %dma_start3A_382 : memref<1x1x64xi32, #tpu.memory_space<vmem>> -> memref<64xi32, #tpu.memory_space<vmem>>
        %dma_start3A_384 = arith.constant 0 : i32
        %dma_start3A_385 = arith.constant 0 : i32
        %dma_start3A_386 = tpu.memref_slice %arg13[%dma_start3A_384, %dma_start3A_385] : memref<10112x128xf32, #tpu.memory_space<vmem_shared>> -> memref<10112x128xf32, #tpu.memory_space<vmem_shared>>
        %dma_start3A_387 = arith.constant -1 : i32
        tpu.enqueue_indirect_dma source(%arg10 : memref<64x128xf32, #tpu.memory_space<vmem>>) target(%dma_start3A_386 : memref<10112x128xf32, #tpu.memory_space<vmem_shared>>) offsets(%dma_start3A_383 : memref<64xi32, #tpu.memory_space<vmem>>) offset_filter(%dma_start3A_387) semaphore(%run_scoped3A_380 : memref<!tpu.dma_semaphore, #tpu.memory_space<semaphore_mem>>) {add = true}
        %dma_wait3A_388 = arith.constant 0 : i32
        %dma_wait3A_389 = tpu.memref_slice %arg8[%select_n3A_183, %run_scoped3A_233, %dma_wait3A_388] : memref<3x8x64xi32, #tpu.memory_space<vmem>> -> memref<1x1x64xi32, #tpu.memory_space<vmem>>
        %dma_wait3A_390 = tpu.memref_squeeze %dma_wait3A_389 : memref<1x1x64xi32, #tpu.memory_space<vmem>> -> memref<64xi32, #tpu.memory_space<vmem>>
        %dma_wait3A_391 = arith.constant 0 : i32
        %dma_wait3A_392 = arith.constant 0 : i32
        %dma_wait3A_393 = tpu.memref_slice %arg13[%dma_wait3A_391, %dma_wait3A_392] : memref<10112x128xf32, #tpu.memory_space<vmem_shared>> -> memref<10112x128xf32, #tpu.memory_space<vmem_shared>>
        tpu.wait_indirect_dma semaphore(%run_scoped3A_380 : memref<!tpu.dma_semaphore, #tpu.memory_space<semaphore_mem>>) src(%arg10 : memref<64x128xf32, #tpu.memory_space<vmem>>) dst(%dma_wait3A_393 : memref<10112x128xf32, #tpu.memory_space<vmem_shared>>)
        tpu.yield
      }) : () -> ()
      %mul3A_234 = arith.constant 8 : i32
      %mul3A_235 = arith.muli %scan3A_174, %mul3A_234 : i32
      %add3A_236 = arith.constant 1 : i32
      %add3A_237 = arith.addi %mul3A_235, %add3A_236 : i32
      %add3A_238 = arith.constant 4 : i32
      %add3A_239 = arith.addi %add3A_237, %add3A_238 : i32
      %sub3A_240 = arith.constant 1 : i32
      %sub3A_241 = arith.subi %add3A_239, %sub3A_240 : i32
      %lt3A_242 = arith.constant 160 : i32
      %lt3A_243 = arith.cmpi slt, %sub3A_241, %lt3A_242 : i32
      %convert_element_type3A_244 = arith.extui %lt3A_243 : i1 to i32
      %cond3A_245 = arith.constant 0 : i32
      %cond3A_246 = arith.cmpi ne, %convert_element_type3A_244, %cond3A_245 : i32
      scf.if %cond3A_246 {
        %dma_start3A_380 = arith.constant 4 : i32
        %dma_start3A_381 = arith.constant 0 : i32
        %dma_start3A_382 = tpu.memref_slice %arg7[%select_n3A_183, %dma_start3A_380, %dma_start3A_381] : memref<3x8x64xi32, #tpu.memory_space<vmem>> -> memref<1x1x64xi32, #tpu.memory_space<vmem>>
        %dma_start3A_383 = tpu.memref_squeeze %dma_start3A_382 : memref<1x1x64xi32, #tpu.memory_space<vmem>> -> memref<64xi32, #tpu.memory_space<vmem>>
        %dma_start3A_384 = arith.constant 0 : i32
        %dma_start3A_385 = arith.constant 0 : i32
        %dma_start3A_386 = tpu.memref_slice %arg2[%dma_start3A_384, %dma_start3A_385] : memref<10000x128xf32, #tpu.memory_space<hbm>> -> memref<10000x128xf32, #tpu.memory_space<hbm>>
        %dma_start3A_387 = arith.constant -1 : i32
        tpu.enqueue_indirect_dma source(%dma_start3A_386 : memref<10000x128xf32, #tpu.memory_space<hbm>>) target(%arg9 : memref<64x128xf32, #tpu.memory_space<vmem>>) offsets(%dma_start3A_383 : memref<64xi32, #tpu.memory_space<vmem>>) offset_filter(%dma_start3A_387) semaphore(%arg14 : memref<!tpu.dma_semaphore, #tpu.memory_space<semaphore_mem>>)
      } else {
      }
      %dma_wait3A_247 = arith.constant 2 : i32
      %dma_wait3A_248 = arith.constant 0 : i32
      %dma_wait3A_249 = tpu.memref_slice %arg7[%select_n3A_183, %dma_wait3A_247, %dma_wait3A_248] : memref<3x8x64xi32, #tpu.memory_space<vmem>> -> memref<1x1x64xi32, #tpu.memory_space<vmem>>
      %dma_wait3A_250 = tpu.memref_squeeze %dma_wait3A_249 : memref<1x1x64xi32, #tpu.memory_space<vmem>> -> memref<64xi32, #tpu.memory_space<vmem>>
      %dma_wait3A_251 = arith.constant 0 : i32
      %dma_wait3A_252 = arith.constant 0 : i32
      %dma_wait3A_253 = tpu.memref_slice %arg2[%dma_wait3A_251, %dma_wait3A_252] : memref<10000x128xf32, #tpu.memory_space<hbm>> -> memref<10000x128xf32, #tpu.memory_space<hbm>>
      tpu.wait_indirect_dma semaphore(%arg16 : memref<!tpu.dma_semaphore, #tpu.memory_space<semaphore_mem>>) src(%dma_wait3A_253 : memref<10000x128xf32, #tpu.memory_space<hbm>>) dst(%arg11 : memref<64x128xf32, #tpu.memory_space<vmem>>)
      %run_scoped3A_254 = arith.constant 2 : i32
      "tpu.region"() ({
        %run_scoped3A_380 = tpu.sem_alloc : memref<!tpu.dma_semaphore, #tpu.memory_space<semaphore_mem>>
        %dma_start3A_381 = arith.constant 0 : i32
        %dma_start3A_382 = tpu.memref_slice %arg8[%select_n3A_183, %run_scoped3A_254, %dma_start3A_381] : memref<3x8x64xi32, #tpu.memory_space<vmem>> -> memref<1x1x64xi32, #tpu.memory_space<vmem>>
        %dma_start3A_383 = tpu.memref_squeeze %dma_start3A_382 : memref<1x1x64xi32, #tpu.memory_space<vmem>> -> memref<64xi32, #tpu.memory_space<vmem>>
        %dma_start3A_384 = arith.constant 0 : i32
        %dma_start3A_385 = arith.constant 0 : i32
        %dma_start3A_386 = tpu.memref_slice %arg13[%dma_start3A_384, %dma_start3A_385] : memref<10112x128xf32, #tpu.memory_space<vmem_shared>> -> memref<10112x128xf32, #tpu.memory_space<vmem_shared>>
        %dma_start3A_387 = arith.constant -1 : i32
        tpu.enqueue_indirect_dma source(%arg11 : memref<64x128xf32, #tpu.memory_space<vmem>>) target(%dma_start3A_386 : memref<10112x128xf32, #tpu.memory_space<vmem_shared>>) offsets(%dma_start3A_383 : memref<64xi32, #tpu.memory_space<vmem>>) offset_filter(%dma_start3A_387) semaphore(%run_scoped3A_380 : memref<!tpu.dma_semaphore, #tpu.memory_space<semaphore_mem>>) {add = true}
        %dma_wait3A_388 = arith.constant 0 : i32
        %dma_wait3A_389 = tpu.memref_slice %arg8[%select_n3A_183, %run_scoped3A_254, %dma_wait3A_388] : memref<3x8x64xi32, #tpu.memory_space<vmem>> -> memref<1x1x64xi32, #tpu.memory_space<vmem>>
        %dma_wait3A_390 = tpu.memref_squeeze %dma_wait3A_389 : memref<1x1x64xi32, #tpu.memory_space<vmem>> -> memref<64xi32, #tpu.memory_space<vmem>>
        %dma_wait3A_391 = arith.constant 0 : i32
        %dma_wait3A_392 = arith.constant 0 : i32
        %dma_wait3A_393 = tpu.memref_slice %arg13[%dma_wait3A_391, %dma_wait3A_392] : memref<10112x128xf32, #tpu.memory_space<vmem_shared>> -> memref<10112x128xf32, #tpu.memory_space<vmem_shared>>
        tpu.wait_indirect_dma semaphore(%run_scoped3A_380 : memref<!tpu.dma_semaphore, #tpu.memory_space<semaphore_mem>>) src(%arg11 : memref<64x128xf32, #tpu.memory_space<vmem>>) dst(%dma_wait3A_393 : memref<10112x128xf32, #tpu.memory_space<vmem_shared>>)
        tpu.yield
      }) : () -> ()
      %mul3A_255 = arith.constant 8 : i32
      %mul3A_256 = arith.muli %scan3A_174, %mul3A_255 : i32
      %add3A_257 = arith.constant 2 : i32
      %add3A_258 = arith.addi %mul3A_256, %add3A_257 : i32
      %add3A_259 = arith.constant 4 : i32
      %add3A_260 = arith.addi %add3A_258, %add3A_259 : i32
      %sub3A_261 = arith.constant 1 : i32
      %sub3A_262 = arith.subi %add3A_260, %sub3A_261 : i32
      %lt3A_263 = arith.constant 160 : i32
      %lt3A_264 = arith.cmpi slt, %sub3A_262, %lt3A_263 : i32
      %convert_element_type3A_265 = arith.extui %lt3A_264 : i1 to i32
      %cond3A_266 = arith.constant 0 : i32
      %cond3A_267 = arith.cmpi ne, %convert_element_type3A_265, %cond3A_266 : i32
      scf.if %cond3A_267 {
        %dma_start3A_380 = arith.constant 5 : i32
        %dma_start3A_381 = arith.constant 0 : i32
        %dma_start3A_382 = tpu.memref_slice %arg7[%select_n3A_183, %dma_start3A_380, %dma_start3A_381] : memref<3x8x64xi32, #tpu.memory_space<vmem>> -> memref<1x1x64xi32, #tpu.memory_space<vmem>>
        %dma_start3A_383 = tpu.memref_squeeze %dma_start3A_382 : memref<1x1x64xi32, #tpu.memory_space<vmem>> -> memref<64xi32, #tpu.memory_space<vmem>>
        %dma_start3A_384 = arith.constant 0 : i32
        %dma_start3A_385 = arith.constant 0 : i32
        %dma_start3A_386 = tpu.memref_slice %arg2[%dma_start3A_384, %dma_start3A_385] : memref<10000x128xf32, #tpu.memory_space<hbm>> -> memref<10000x128xf32, #tpu.memory_space<hbm>>
        %dma_start3A_387 = arith.constant -1 : i32
        tpu.enqueue_indirect_dma source(%dma_start3A_386 : memref<10000x128xf32, #tpu.memory_space<hbm>>) target(%arg10 : memref<64x128xf32, #tpu.memory_space<vmem>>) offsets(%dma_start3A_383 : memref<64xi32, #tpu.memory_space<vmem>>) offset_filter(%dma_start3A_387) semaphore(%arg15 : memref<!tpu.dma_semaphore, #tpu.memory_space<semaphore_mem>>)
      } else {
      }
      %dma_wait3A_268 = arith.constant 3 : i32
      %dma_wait3A_269 = arith.constant 0 : i32
      %dma_wait3A_270 = tpu.memref_slice %arg7[%select_n3A_183, %dma_wait3A_268, %dma_wait3A_269] : memref<3x8x64xi32, #tpu.memory_space<vmem>> -> memref<1x1x64xi32, #tpu.memory_space<vmem>>
      %dma_wait3A_271 = tpu.memref_squeeze %dma_wait3A_270 : memref<1x1x64xi32, #tpu.memory_space<vmem>> -> memref<64xi32, #tpu.memory_space<vmem>>
      %dma_wait3A_272 = arith.constant 0 : i32
      %dma_wait3A_273 = arith.constant 0 : i32
      %dma_wait3A_274 = tpu.memref_slice %arg2[%dma_wait3A_272, %dma_wait3A_273] : memref<10000x128xf32, #tpu.memory_space<hbm>> -> memref<10000x128xf32, #tpu.memory_space<hbm>>
      tpu.wait_indirect_dma semaphore(%arg17 : memref<!tpu.dma_semaphore, #tpu.memory_space<semaphore_mem>>) src(%dma_wait3A_274 : memref<10000x128xf32, #tpu.memory_space<hbm>>) dst(%arg12 : memref<64x128xf32, #tpu.memory_space<vmem>>)
      %run_scoped3A_275 = arith.constant 3 : i32
      "tpu.region"() ({
        %run_scoped3A_380 = tpu.sem_alloc : memref<!tpu.dma_semaphore, #tpu.memory_space<semaphore_mem>>
        %dma_start3A_381 = arith.constant 0 : i32
        %dma_start3A_382 = tpu.memref_slice %arg8[%select_n3A_183, %run_scoped3A_275, %dma_start3A_381] : memref<3x8x64xi32, #tpu.memory_space<vmem>> -> memref<1x1x64xi32, #tpu.memory_space<vmem>>
        %dma_start3A_383 = tpu.memref_squeeze %dma_start3A_382 : memref<1x1x64xi32, #tpu.memory_space<vmem>> -> memref<64xi32, #tpu.memory_space<vmem>>
        %dma_start3A_384 = arith.constant 0 : i32
        %dma_start3A_385 = arith.constant 0 : i32
        %dma_start3A_386 = tpu.memref_slice %arg13[%dma_start3A_384, %dma_start3A_385] : memref<10112x128xf32, #tpu.memory_space<vmem_shared>> -> memref<10112x128xf32, #tpu.memory_space<vmem_shared>>
        %dma_start3A_387 = arith.constant -1 : i32
        tpu.enqueue_indirect_dma source(%arg12 : memref<64x128xf32, #tpu.memory_space<vmem>>) target(%dma_start3A_386 : memref<10112x128xf32, #tpu.memory_space<vmem_shared>>) offsets(%dma_start3A_383 : memref<64xi32, #tpu.memory_space<vmem>>) offset_filter(%dma_start3A_387) semaphore(%run_scoped3A_380 : memref<!tpu.dma_semaphore, #tpu.memory_space<semaphore_mem>>) {add = true}
        %dma_wait3A_388 = arith.constant 0 : i32
        %dma_wait3A_389 = tpu.memref_slice %arg8[%select_n3A_183, %run_scoped3A_275, %dma_wait3A_388] : memref<3x8x64xi32, #tpu.memory_space<vmem>> -> memref<1x1x64xi32, #tpu.memory_space<vmem>>
        %dma_wait3A_390 = tpu.memref_squeeze %dma_wait3A_389 : memref<1x1x64xi32, #tpu.memory_space<vmem>> -> memref<64xi32, #tpu.memory_space<vmem>>
        %dma_wait3A_391 = arith.constant 0 : i32
        %dma_wait3A_392 = arith.constant 0 : i32
        %dma_wait3A_393 = tpu.memref_slice %arg13[%dma_wait3A_391, %dma_wait3A_392] : memref<10112x128xf32, #tpu.memory_space<vmem_shared>> -> memref<10112x128xf32, #tpu.memory_space<vmem_shared>>
        tpu.wait_indirect_dma semaphore(%run_scoped3A_380 : memref<!tpu.dma_semaphore, #tpu.memory_space<semaphore_mem>>) src(%arg12 : memref<64x128xf32, #tpu.memory_space<vmem>>) dst(%dma_wait3A_393 : memref<10112x128xf32, #tpu.memory_space<vmem_shared>>)
        tpu.yield
      }) : () -> ()
      %mul3A_276 = arith.constant 8 : i32
      %mul3A_277 = arith.muli %scan3A_174, %mul3A_276 : i32
      %add3A_278 = arith.constant 3 : i32
      %add3A_279 = arith.addi %mul3A_277, %add3A_278 : i32
      %add3A_280 = arith.constant 4 : i32
      %add3A_281 = arith.addi %add3A_279, %add3A_280 : i32
      %sub3A_282 = arith.constant 1 : i32
      %sub3A_283 = arith.subi %add3A_281, %sub3A_282 : i32
      %lt3A_284 = arith.constant 160 : i32
      %lt3A_285 = arith.cmpi slt, %sub3A_283, %lt3A_284 : i32
      %convert_element_type3A_286 = arith.extui %lt3A_285 : i1 to i32
      %cond3A_287 = arith.constant 0 : i32
      %cond3A_288 = arith.cmpi ne, %convert_element_type3A_286, %cond3A_287 : i32
      scf.if %cond3A_288 {
        %dma_start3A_380 = arith.constant 6 : i32
        %dma_start3A_381 = arith.constant 0 : i32
        %dma_start3A_382 = tpu.memref_slice %arg7[%select_n3A_183, %dma_start3A_380, %dma_start3A_381] : memref<3x8x64xi32, #tpu.memory_space<vmem>> -> memref<1x1x64xi32, #tpu.memory_space<vmem>>
        %dma_start3A_383 = tpu.memref_squeeze %dma_start3A_382 : memref<1x1x64xi32, #tpu.memory_space<vmem>> -> memref<64xi32, #tpu.memory_space<vmem>>
        %dma_start3A_384 = arith.constant 0 : i32
        %dma_start3A_385 = arith.constant 0 : i32
        %dma_start3A_386 = tpu.memref_slice %arg2[%dma_start3A_384, %dma_start3A_385] : memref<10000x128xf32, #tpu.memory_space<hbm>> -> memref<10000x128xf32, #tpu.memory_space<hbm>>
        %dma_start3A_387 = arith.constant -1 : i32
        tpu.enqueue_indirect_dma source(%dma_start3A_386 : memref<10000x128xf32, #tpu.memory_space<hbm>>) target(%arg11 : memref<64x128xf32, #tpu.memory_space<vmem>>) offsets(%dma_start3A_383 : memref<64xi32, #tpu.memory_space<vmem>>) offset_filter(%dma_start3A_387) semaphore(%arg16 : memref<!tpu.dma_semaphore, #tpu.memory_space<semaphore_mem>>)
      } else {
      }
      %dma_wait3A_289 = arith.constant 4 : i32
      %dma_wait3A_290 = arith.constant 0 : i32
      %dma_wait3A_291 = tpu.memref_slice %arg7[%select_n3A_183, %dma_wait3A_289, %dma_wait3A_290] : memref<3x8x64xi32, #tpu.memory_space<vmem>> -> memref<1x1x64xi32, #tpu.memory_space<vmem>>
      %dma_wait3A_292 = tpu.memref_squeeze %dma_wait3A_291 : memref<1x1x64xi32, #tpu.memory_space<vmem>> -> memref<64xi32, #tpu.memory_space<vmem>>
      %dma_wait3A_293 = arith.constant 0 : i32
      %dma_wait3A_294 = arith.constant 0 : i32
      %dma_wait3A_295 = tpu.memref_slice %arg2[%dma_wait3A_293, %dma_wait3A_294] : memref<10000x128xf32, #tpu.memory_space<hbm>> -> memref<10000x128xf32, #tpu.memory_space<hbm>>
      tpu.wait_indirect_dma semaphore(%arg14 : memref<!tpu.dma_semaphore, #tpu.memory_space<semaphore_mem>>) src(%dma_wait3A_295 : memref<10000x128xf32, #tpu.memory_space<hbm>>) dst(%arg9 : memref<64x128xf32, #tpu.memory_space<vmem>>)
      %run_scoped3A_296 = arith.constant 4 : i32
      "tpu.region"() ({
        %run_scoped3A_380 = tpu.sem_alloc : memref<!tpu.dma_semaphore, #tpu.memory_space<semaphore_mem>>
        %dma_start3A_381 = arith.constant 0 : i32
        %dma_start3A_382 = tpu.memref_slice %arg8[%select_n3A_183, %run_scoped3A_296, %dma_start3A_381] : memref<3x8x64xi32, #tpu.memory_space<vmem>> -> memref<1x1x64xi32, #tpu.memory_space<vmem>>
        %dma_start3A_383 = tpu.memref_squeeze %dma_start3A_382 : memref<1x1x64xi32, #tpu.memory_space<vmem>> -> memref<64xi32, #tpu.memory_space<vmem>>
        %dma_start3A_384 = arith.constant 0 : i32
        %dma_start3A_385 = arith.constant 0 : i32
        %dma_start3A_386 = tpu.memref_slice %arg13[%dma_start3A_384, %dma_start3A_385] : memref<10112x128xf32, #tpu.memory_space<vmem_shared>> -> memref<10112x128xf32, #tpu.memory_space<vmem_shared>>
        %dma_start3A_387 = arith.constant -1 : i32
        tpu.enqueue_indirect_dma source(%arg9 : memref<64x128xf32, #tpu.memory_space<vmem>>) target(%dma_start3A_386 : memref<10112x128xf32, #tpu.memory_space<vmem_shared>>) offsets(%dma_start3A_383 : memref<64xi32, #tpu.memory_space<vmem>>) offset_filter(%dma_start3A_387) semaphore(%run_scoped3A_380 : memref<!tpu.dma_semaphore, #tpu.memory_space<semaphore_mem>>) {add = true}
        %dma_wait3A_388 = arith.constant 0 : i32
        %dma_wait3A_389 = tpu.memref_slice %arg8[%select_n3A_183, %run_scoped3A_296, %dma_wait3A_388] : memref<3x8x64xi32, #tpu.memory_space<vmem>> -> memref<1x1x64xi32, #tpu.memory_space<vmem>>
        %dma_wait3A_390 = tpu.memref_squeeze %dma_wait3A_389 : memref<1x1x64xi32, #tpu.memory_space<vmem>> -> memref<64xi32, #tpu.memory_space<vmem>>
        %dma_wait3A_391 = arith.constant 0 : i32
        %dma_wait3A_392 = arith.constant 0 : i32
        %dma_wait3A_393 = tpu.memref_slice %arg13[%dma_wait3A_391, %dma_wait3A_392] : memref<10112x128xf32, #tpu.memory_space<vmem_shared>> -> memref<10112x128xf32, #tpu.memory_space<vmem_shared>>
        tpu.wait_indirect_dma semaphore(%run_scoped3A_380 : memref<!tpu.dma_semaphore, #tpu.memory_space<semaphore_mem>>) src(%arg9 : memref<64x128xf32, #tpu.memory_space<vmem>>) dst(%dma_wait3A_393 : memref<10112x128xf32, #tpu.memory_space<vmem_shared>>)
        tpu.yield
      }) : () -> ()
      %mul3A_297 = arith.constant 8 : i32
      %mul3A_298 = arith.muli %scan3A_174, %mul3A_297 : i32
      %add3A_299 = arith.constant 4 : i32
      %add3A_300 = arith.addi %mul3A_298, %add3A_299 : i32
      %add3A_301 = arith.constant 4 : i32
      %add3A_302 = arith.addi %add3A_300, %add3A_301 : i32
      %sub3A_303 = arith.constant 1 : i32
      %sub3A_304 = arith.subi %add3A_302, %sub3A_303 : i32
      %lt3A_305 = arith.constant 160 : i32
      %lt3A_306 = arith.cmpi slt, %sub3A_304, %lt3A_305 : i32
      %convert_element_type3A_307 = arith.extui %lt3A_306 : i1 to i32
      %cond3A_308 = arith.constant 0 : i32
      %cond3A_309 = arith.cmpi ne, %convert_element_type3A_307, %cond3A_308 : i32
      scf.if %cond3A_309 {
        %dma_start3A_380 = arith.constant 7 : i32
        %dma_start3A_381 = arith.constant 0 : i32
        %dma_start3A_382 = tpu.memref_slice %arg7[%select_n3A_183, %dma_start3A_380, %dma_start3A_381] : memref<3x8x64xi32, #tpu.memory_space<vmem>> -> memref<1x1x64xi32, #tpu.memory_space<vmem>>
        %dma_start3A_383 = tpu.memref_squeeze %dma_start3A_382 : memref<1x1x64xi32, #tpu.memory_space<vmem>> -> memref<64xi32, #tpu.memory_space<vmem>>
        %dma_start3A_384 = arith.constant 0 : i32
        %dma_start3A_385 = arith.constant 0 : i32
        %dma_start3A_386 = tpu.memref_slice %arg2[%dma_start3A_384, %dma_start3A_385] : memref<10000x128xf32, #tpu.memory_space<hbm>> -> memref<10000x128xf32, #tpu.memory_space<hbm>>
        %dma_start3A_387 = arith.constant -1 : i32
        tpu.enqueue_indirect_dma source(%dma_start3A_386 : memref<10000x128xf32, #tpu.memory_space<hbm>>) target(%arg12 : memref<64x128xf32, #tpu.memory_space<vmem>>) offsets(%dma_start3A_383 : memref<64xi32, #tpu.memory_space<vmem>>) offset_filter(%dma_start3A_387) semaphore(%arg17 : memref<!tpu.dma_semaphore, #tpu.memory_space<semaphore_mem>>)
      } else {
      }
      %dma_wait3A_310 = arith.constant 5 : i32
      %dma_wait3A_311 = arith.constant 0 : i32
      %dma_wait3A_312 = tpu.memref_slice %arg7[%select_n3A_183, %dma_wait3A_310, %dma_wait3A_311] : memref<3x8x64xi32, #tpu.memory_space<vmem>> -> memref<1x1x64xi32, #tpu.memory_space<vmem>>
      %dma_wait3A_313 = tpu.memref_squeeze %dma_wait3A_312 : memref<1x1x64xi32, #tpu.memory_space<vmem>> -> memref<64xi32, #tpu.memory_space<vmem>>
      %dma_wait3A_314 = arith.constant 0 : i32
      %dma_wait3A_315 = arith.constant 0 : i32
      %dma_wait3A_316 = tpu.memref_slice %arg2[%dma_wait3A_314, %dma_wait3A_315] : memref<10000x128xf32, #tpu.memory_space<hbm>> -> memref<10000x128xf32, #tpu.memory_space<hbm>>
      tpu.wait_indirect_dma semaphore(%arg15 : memref<!tpu.dma_semaphore, #tpu.memory_space<semaphore_mem>>) src(%dma_wait3A_316 : memref<10000x128xf32, #tpu.memory_space<hbm>>) dst(%arg10 : memref<64x128xf32, #tpu.memory_space<vmem>>)
      %run_scoped3A_317 = arith.constant 5 : i32
      "tpu.region"() ({
        %run_scoped3A_380 = tpu.sem_alloc : memref<!tpu.dma_semaphore, #tpu.memory_space<semaphore_mem>>
        %dma_start3A_381 = arith.constant 0 : i32
        %dma_start3A_382 = tpu.memref_slice %arg8[%select_n3A_183, %run_scoped3A_317, %dma_start3A_381] : memref<3x8x64xi32, #tpu.memory_space<vmem>> -> memref<1x1x64xi32, #tpu.memory_space<vmem>>
        %dma_start3A_383 = tpu.memref_squeeze %dma_start3A_382 : memref<1x1x64xi32, #tpu.memory_space<vmem>> -> memref<64xi32, #tpu.memory_space<vmem>>
        %dma_start3A_384 = arith.constant 0 : i32
        %dma_start3A_385 = arith.constant 0 : i32
        %dma_start3A_386 = tpu.memref_slice %arg13[%dma_start3A_384, %dma_start3A_385] : memref<10112x128xf32, #tpu.memory_space<vmem_shared>> -> memref<10112x128xf32, #tpu.memory_space<vmem_shared>>
        %dma_start3A_387 = arith.constant -1 : i32
        tpu.enqueue_indirect_dma source(%arg10 : memref<64x128xf32, #tpu.memory_space<vmem>>) target(%dma_start3A_386 : memref<10112x128xf32, #tpu.memory_space<vmem_shared>>) offsets(%dma_start3A_383 : memref<64xi32, #tpu.memory_space<vmem>>) offset_filter(%dma_start3A_387) semaphore(%run_scoped3A_380 : memref<!tpu.dma_semaphore, #tpu.memory_space<semaphore_mem>>) {add = true}
        %dma_wait3A_388 = arith.constant 0 : i32
        %dma_wait3A_389 = tpu.memref_slice %arg8[%select_n3A_183, %run_scoped3A_317, %dma_wait3A_388] : memref<3x8x64xi32, #tpu.memory_space<vmem>> -> memref<1x1x64xi32, #tpu.memory_space<vmem>>
        %dma_wait3A_390 = tpu.memref_squeeze %dma_wait3A_389 : memref<1x1x64xi32, #tpu.memory_space<vmem>> -> memref<64xi32, #tpu.memory_space<vmem>>
        %dma_wait3A_391 = arith.constant 0 : i32
        %dma_wait3A_392 = arith.constant 0 : i32
        %dma_wait3A_393 = tpu.memref_slice %arg13[%dma_wait3A_391, %dma_wait3A_392] : memref<10112x128xf32, #tpu.memory_space<vmem_shared>> -> memref<10112x128xf32, #tpu.memory_space<vmem_shared>>
        tpu.wait_indirect_dma semaphore(%run_scoped3A_380 : memref<!tpu.dma_semaphore, #tpu.memory_space<semaphore_mem>>) src(%arg10 : memref<64x128xf32, #tpu.memory_space<vmem>>) dst(%dma_wait3A_393 : memref<10112x128xf32, #tpu.memory_space<vmem_shared>>)
        tpu.yield
      }) : () -> ()
      %mul3A_318 = arith.constant 8 : i32
      %mul3A_319 = arith.muli %scan3A_174, %mul3A_318 : i32
      %add3A_320 = arith.constant 5 : i32
      %add3A_321 = arith.addi %mul3A_319, %add3A_320 : i32
      %add3A_322 = arith.constant 4 : i32
      %add3A_323 = arith.addi %add3A_321, %add3A_322 : i32
      %sub3A_324 = arith.constant 1 : i32
      %sub3A_325 = arith.subi %add3A_323, %sub3A_324 : i32
      %lt3A_326 = arith.constant 160 : i32
      %lt3A_327 = arith.cmpi slt, %sub3A_325, %lt3A_326 : i32
      %convert_element_type3A_328 = arith.extui %lt3A_327 : i1 to i32
      %cond3A_329 = arith.constant 0 : i32
      %cond3A_330 = arith.cmpi ne, %convert_element_type3A_328, %cond3A_329 : i32
      scf.if %cond3A_330 {
        %dma_start3A_380 = arith.constant 0 : i32
        %dma_start3A_381 = arith.constant 0 : i32
        %dma_start3A_382 = tpu.memref_slice %arg7[%select_n3A_201, %dma_start3A_380, %dma_start3A_381] : memref<3x8x64xi32, #tpu.memory_space<vmem>> -> memref<1x1x64xi32, #tpu.memory_space<vmem>>
        %dma_start3A_383 = tpu.memref_squeeze %dma_start3A_382 : memref<1x1x64xi32, #tpu.memory_space<vmem>> -> memref<64xi32, #tpu.memory_space<vmem>>
        %dma_start3A_384 = arith.constant 0 : i32
        %dma_start3A_385 = arith.constant 0 : i32
        %dma_start3A_386 = tpu.memref_slice %arg2[%dma_start3A_384, %dma_start3A_385] : memref<10000x128xf32, #tpu.memory_space<hbm>> -> memref<10000x128xf32, #tpu.memory_space<hbm>>
        %dma_start3A_387 = arith.constant -1 : i32
        tpu.enqueue_indirect_dma source(%dma_start3A_386 : memref<10000x128xf32, #tpu.memory_space<hbm>>) target(%arg9 : memref<64x128xf32, #tpu.memory_space<vmem>>) offsets(%dma_start3A_383 : memref<64xi32, #tpu.memory_space<vmem>>) offset_filter(%dma_start3A_387) semaphore(%arg14 : memref<!tpu.dma_semaphore, #tpu.memory_space<semaphore_mem>>)
      } else {
      }
      %dma_wait3A_331 = arith.constant 6 : i32
      %dma_wait3A_332 = arith.constant 0 : i32
      %dma_wait3A_333 = tpu.memref_slice %arg7[%select_n3A_183, %dma_wait3A_331, %dma_wait3A_332] : memref<3x8x64xi32, #tpu.memory_space<vmem>> -> memref<1x1x64xi32, #tpu.memory_space<vmem>>
      %dma_wait3A_334 = tpu.memref_squeeze %dma_wait3A_333 : memref<1x1x64xi32, #tpu.memory_space<vmem>> -> memref<64xi32, #tpu.memory_space<vmem>>
      %dma_wait3A_335 = arith.constant 0 : i32
      %dma_wait3A_336 = arith.constant 0 : i32
      %dma_wait3A_337 = tpu.memref_slice %arg2[%dma_wait3A_335, %dma_wait3A_336] : memref<10000x128xf32, #tpu.memory_space<hbm>> -> memref<10000x128xf32, #tpu.memory_space<hbm>>
      tpu.wait_indirect_dma semaphore(%arg16 : memref<!tpu.dma_semaphore, #tpu.memory_space<semaphore_mem>>) src(%dma_wait3A_337 : memref<10000x128xf32, #tpu.memory_space<hbm>>) dst(%arg11 : memref<64x128xf32, #tpu.memory_space<vmem>>)
      %run_scoped3A_338 = arith.constant 6 : i32
      "tpu.region"() ({
        %run_scoped3A_380 = tpu.sem_alloc : memref<!tpu.dma_semaphore, #tpu.memory_space<semaphore_mem>>
        %dma_start3A_381 = arith.constant 0 : i32
        %dma_start3A_382 = tpu.memref_slice %arg8[%select_n3A_183, %run_scoped3A_338, %dma_start3A_381] : memref<3x8x64xi32, #tpu.memory_space<vmem>> -> memref<1x1x64xi32, #tpu.memory_space<vmem>>
        %dma_start3A_383 = tpu.memref_squeeze %dma_start3A_382 : memref<1x1x64xi32, #tpu.memory_space<vmem>> -> memref<64xi32, #tpu.memory_space<vmem>>
        %dma_start3A_384 = arith.constant 0 : i32
        %dma_start3A_385 = arith.constant 0 : i32
        %dma_start3A_386 = tpu.memref_slice %arg13[%dma_start3A_384, %dma_start3A_385] : memref<10112x128xf32, #tpu.memory_space<vmem_shared>> -> memref<10112x128xf32, #tpu.memory_space<vmem_shared>>
        %dma_start3A_387 = arith.constant -1 : i32
        tpu.enqueue_indirect_dma source(%arg11 : memref<64x128xf32, #tpu.memory_space<vmem>>) target(%dma_start3A_386 : memref<10112x128xf32, #tpu.memory_space<vmem_shared>>) offsets(%dma_start3A_383 : memref<64xi32, #tpu.memory_space<vmem>>) offset_filter(%dma_start3A_387) semaphore(%run_scoped3A_380 : memref<!tpu.dma_semaphore, #tpu.memory_space<semaphore_mem>>) {add = true}
        %dma_wait3A_388 = arith.constant 0 : i32
        %dma_wait3A_389 = tpu.memref_slice %arg8[%select_n3A_183, %run_scoped3A_338, %dma_wait3A_388] : memref<3x8x64xi32, #tpu.memory_space<vmem>> -> memref<1x1x64xi32, #tpu.memory_space<vmem>>
        %dma_wait3A_390 = tpu.memref_squeeze %dma_wait3A_389 : memref<1x1x64xi32, #tpu.memory_space<vmem>> -> memref<64xi32, #tpu.memory_space<vmem>>
        %dma_wait3A_391 = arith.constant 0 : i32
        %dma_wait3A_392 = arith.constant 0 : i32
        %dma_wait3A_393 = tpu.memref_slice %arg13[%dma_wait3A_391, %dma_wait3A_392] : memref<10112x128xf32, #tpu.memory_space<vmem_shared>> -> memref<10112x128xf32, #tpu.memory_space<vmem_shared>>
        tpu.wait_indirect_dma semaphore(%run_scoped3A_380 : memref<!tpu.dma_semaphore, #tpu.memory_space<semaphore_mem>>) src(%arg11 : memref<64x128xf32, #tpu.memory_space<vmem>>) dst(%dma_wait3A_393 : memref<10112x128xf32, #tpu.memory_space<vmem_shared>>)
        tpu.yield
      }) : () -> ()
      %mul3A_339 = arith.constant 8 : i32
      %mul3A_340 = arith.muli %scan3A_174, %mul3A_339 : i32
      %add3A_341 = arith.constant 6 : i32
      %add3A_342 = arith.addi %mul3A_340, %add3A_341 : i32
      %add3A_343 = arith.constant 4 : i32
      %add3A_344 = arith.addi %add3A_342, %add3A_343 : i32
      %sub3A_345 = arith.constant 1 : i32
      %sub3A_346 = arith.subi %add3A_344, %sub3A_345 : i32
      %lt3A_347 = arith.constant 160 : i32
      %lt3A_348 = arith.cmpi slt, %sub3A_346, %lt3A_347 : i32
      %convert_element_type3A_349 = arith.extui %lt3A_348 : i1 to i32
      %cond3A_350 = arith.constant 0 : i32
      %cond3A_351 = arith.cmpi ne, %convert_element_type3A_349, %cond3A_350 : i32
      scf.if %cond3A_351 {
        %dma_start3A_380 = arith.constant 1 : i32
        %dma_start3A_381 = arith.constant 0 : i32
        %dma_start3A_382 = tpu.memref_slice %arg7[%select_n3A_201, %dma_start3A_380, %dma_start3A_381] : memref<3x8x64xi32, #tpu.memory_space<vmem>> -> memref<1x1x64xi32, #tpu.memory_space<vmem>>
        %dma_start3A_383 = tpu.memref_squeeze %dma_start3A_382 : memref<1x1x64xi32, #tpu.memory_space<vmem>> -> memref<64xi32, #tpu.memory_space<vmem>>
        %dma_start3A_384 = arith.constant 0 : i32
        %dma_start3A_385 = arith.constant 0 : i32
        %dma_start3A_386 = tpu.memref_slice %arg2[%dma_start3A_384, %dma_start3A_385] : memref<10000x128xf32, #tpu.memory_space<hbm>> -> memref<10000x128xf32, #tpu.memory_space<hbm>>
        %dma_start3A_387 = arith.constant -1 : i32
        tpu.enqueue_indirect_dma source(%dma_start3A_386 : memref<10000x128xf32, #tpu.memory_space<hbm>>) target(%arg10 : memref<64x128xf32, #tpu.memory_space<vmem>>) offsets(%dma_start3A_383 : memref<64xi32, #tpu.memory_space<vmem>>) offset_filter(%dma_start3A_387) semaphore(%arg15 : memref<!tpu.dma_semaphore, #tpu.memory_space<semaphore_mem>>)
      } else {
      }
      %dma_wait3A_352 = arith.constant 7 : i32
      %dma_wait3A_353 = arith.constant 0 : i32
      %dma_wait3A_354 = tpu.memref_slice %arg7[%select_n3A_183, %dma_wait3A_352, %dma_wait3A_353] : memref<3x8x64xi32, #tpu.memory_space<vmem>> -> memref<1x1x64xi32, #tpu.memory_space<vmem>>
      %dma_wait3A_355 = tpu.memref_squeeze %dma_wait3A_354 : memref<1x1x64xi32, #tpu.memory_space<vmem>> -> memref<64xi32, #tpu.memory_space<vmem>>
      %dma_wait3A_356 = arith.constant 0 : i32
      %dma_wait3A_357 = arith.constant 0 : i32
      %dma_wait3A_358 = tpu.memref_slice %arg2[%dma_wait3A_356, %dma_wait3A_357] : memref<10000x128xf32, #tpu.memory_space<hbm>> -> memref<10000x128xf32, #tpu.memory_space<hbm>>
      tpu.wait_indirect_dma semaphore(%arg17 : memref<!tpu.dma_semaphore, #tpu.memory_space<semaphore_mem>>) src(%dma_wait3A_358 : memref<10000x128xf32, #tpu.memory_space<hbm>>) dst(%arg12 : memref<64x128xf32, #tpu.memory_space<vmem>>)
      %run_scoped3A_359 = arith.constant 7 : i32
      "tpu.region"() ({
        %run_scoped3A_380 = tpu.sem_alloc : memref<!tpu.dma_semaphore, #tpu.memory_space<semaphore_mem>>
        %dma_start3A_381 = arith.constant 0 : i32
        %dma_start3A_382 = tpu.memref_slice %arg8[%select_n3A_183, %run_scoped3A_359, %dma_start3A_381] : memref<3x8x64xi32, #tpu.memory_space<vmem>> -> memref<1x1x64xi32, #tpu.memory_space<vmem>>
        %dma_start3A_383 = tpu.memref_squeeze %dma_start3A_382 : memref<1x1x64xi32, #tpu.memory_space<vmem>> -> memref<64xi32, #tpu.memory_space<vmem>>
        %dma_start3A_384 = arith.constant 0 : i32
        %dma_start3A_385 = arith.constant 0 : i32
        %dma_start3A_386 = tpu.memref_slice %arg13[%dma_start3A_384, %dma_start3A_385] : memref<10112x128xf32, #tpu.memory_space<vmem_shared>> -> memref<10112x128xf32, #tpu.memory_space<vmem_shared>>
        %dma_start3A_387 = arith.constant -1 : i32
        tpu.enqueue_indirect_dma source(%arg12 : memref<64x128xf32, #tpu.memory_space<vmem>>) target(%dma_start3A_386 : memref<10112x128xf32, #tpu.memory_space<vmem_shared>>) offsets(%dma_start3A_383 : memref<64xi32, #tpu.memory_space<vmem>>) offset_filter(%dma_start3A_387) semaphore(%run_scoped3A_380 : memref<!tpu.dma_semaphore, #tpu.memory_space<semaphore_mem>>) {add = true}
        %dma_wait3A_388 = arith.constant 0 : i32
        %dma_wait3A_389 = tpu.memref_slice %arg8[%select_n3A_183, %run_scoped3A_359, %dma_wait3A_388] : memref<3x8x64xi32, #tpu.memory_space<vmem>> -> memref<1x1x64xi32, #tpu.memory_space<vmem>>
        %dma_wait3A_390 = tpu.memref_squeeze %dma_wait3A_389 : memref<1x1x64xi32, #tpu.memory_space<vmem>> -> memref<64xi32, #tpu.memory_space<vmem>>
        %dma_wait3A_391 = arith.constant 0 : i32
        %dma_wait3A_392 = arith.constant 0 : i32
        %dma_wait3A_393 = tpu.memref_slice %arg13[%dma_wait3A_391, %dma_wait3A_392] : memref<10112x128xf32, #tpu.memory_space<vmem_shared>> -> memref<10112x128xf32, #tpu.memory_space<vmem_shared>>
        tpu.wait_indirect_dma semaphore(%run_scoped3A_380 : memref<!tpu.dma_semaphore, #tpu.memory_space<semaphore_mem>>) src(%arg12 : memref<64x128xf32, #tpu.memory_space<vmem>>) dst(%dma_wait3A_393 : memref<10112x128xf32, #tpu.memory_space<vmem_shared>>)
        tpu.yield
      }) : () -> ()
      %mul3A_360 = arith.constant 8 : i32
      %mul3A_361 = arith.muli %scan3A_174, %mul3A_360 : i32
      %add3A_362 = arith.constant 7 : i32
      %add3A_363 = arith.addi %mul3A_361, %add3A_362 : i32
      %add3A_364 = arith.constant 4 : i32
      %add3A_365 = arith.addi %add3A_363, %add3A_364 : i32
      %sub3A_366 = arith.constant 1 : i32
      %sub3A_367 = arith.subi %add3A_365, %sub3A_366 : i32
      %lt3A_368 = arith.constant 160 : i32
      %lt3A_369 = arith.cmpi slt, %sub3A_367, %lt3A_368 : i32
      %convert_element_type3A_370 = arith.extui %lt3A_369 : i1 to i32
      %cond3A_371 = arith.constant 0 : i32
      %cond3A_372 = arith.cmpi ne, %convert_element_type3A_370, %cond3A_371 : i32
      scf.if %cond3A_372 {
        %dma_start3A_380 = arith.constant 2 : i32
        %dma_start3A_381 = arith.constant 0 : i32
        %dma_start3A_382 = tpu.memref_slice %arg7[%select_n3A_201, %dma_start3A_380, %dma_start3A_381] : memref<3x8x64xi32, #tpu.memory_space<vmem>> -> memref<1x1x64xi32, #tpu.memory_space<vmem>>
        %dma_start3A_383 = tpu.memref_squeeze %dma_start3A_382 : memref<1x1x64xi32, #tpu.memory_space<vmem>> -> memref<64xi32, #tpu.memory_space<vmem>>
        %dma_start3A_384 = arith.constant 0 : i32
        %dma_start3A_385 = arith.constant 0 : i32
        %dma_start3A_386 = tpu.memref_slice %arg2[%dma_start3A_384, %dma_start3A_385] : memref<10000x128xf32, #tpu.memory_space<hbm>> -> memref<10000x128xf32, #tpu.memory_space<hbm>>
        %dma_start3A_387 = arith.constant -1 : i32
        tpu.enqueue_indirect_dma source(%dma_start3A_386 : memref<10000x128xf32, #tpu.memory_space<hbm>>) target(%arg11 : memref<64x128xf32, #tpu.memory_space<vmem>>) offsets(%dma_start3A_383 : memref<64xi32, #tpu.memory_space<vmem>>) offset_filter(%dma_start3A_387) semaphore(%arg16 : memref<!tpu.dma_semaphore, #tpu.memory_space<semaphore_mem>>)
      } else {
      }
      %add3A_373 = arith.constant 3 : i32
      %add3A_374 = arith.addi %scan3A_174, %add3A_373 : i32
      %lt3A_375 = arith.constant 20 : i32
      %lt3A_376 = arith.cmpi slt, %add3A_374, %lt3A_375 : i32
      %convert_element_type3A_377 = arith.extui %lt3A_376 : i1 to i32
      %cond3A_378 = arith.constant 0 : i32
      %cond3A_379 = arith.cmpi ne, %convert_element_type3A_377, %cond3A_378 : i32
      scf.if %cond3A_379 {
        %add3A_380 = arith.constant 3 : i32
        %add3A_381 = arith.addi %scan3A_174, %add3A_380 : i32
        %mul3A_382 = arith.constant 8 : i32
        %mul3A_383 = arith.muli %add3A_381, %mul3A_382 : i32
        %dma_start3A_384 = arith.constant 0 : i32
        %dma_start3A_385 = arith.constant 0 : i32
        %dma_start3A_386 = tpu.memref_slice %arg7[%select_n3A_183, %dma_start3A_384, %dma_start3A_385] : memref<3x8x64xi32, #tpu.memory_space<vmem>> -> memref<1x8x64xi32, #tpu.memory_space<vmem>>
        %dma_start3A_387 = tpu.memref_squeeze %dma_start3A_386 : memref<1x8x64xi32, #tpu.memory_space<vmem>> -> memref<8x64xi32, #tpu.memory_space<vmem>>
        %dma_start3A_388 = arith.constant 0 : i32
        %dma_start3A_389 = tpu.memref_slice %arg3[%add3A, %mul3A_383, %dma_start3A_388] : memref<32x160x64xi32, #tpu.memory_space<hbm>> -> memref<1x8x64xi32, #tpu.memory_space<hbm>>
        %dma_start3A_390 = tpu.memref_squeeze %dma_start3A_389 : memref<1x8x64xi32, #tpu.memory_space<hbm>> -> memref<8x64xi32, #tpu.memory_space<hbm>>
        %dma_start3A_391 = arith.constant 0 : i32
        %dma_start3A_392 = arith.constant 0 : i32
        %dma_start3A_393 = tpu.memref_slice %arg7[%select_n3A_183, %dma_start3A_391, %dma_start3A_392] : memref<3x8x64xi32, #tpu.memory_space<vmem>> -> memref<1x8x64xi32, #tpu.memory_space<vmem>>
        %dma_start3A_394 = tpu.memref_squeeze %dma_start3A_393 : memref<1x8x64xi32, #tpu.memory_space<vmem>> -> memref<8x64xi32, #tpu.memory_space<vmem>>
        %dma_start3A_395 = arith.constant 0 : i32
        %dma_start3A_396 = tpu.memref_slice %arg3[%add3A, %mul3A_383, %dma_start3A_395] : memref<32x160x64xi32, #tpu.memory_space<hbm>> -> memref<1x8x64xi32, #tpu.memory_space<hbm>>
        %dma_start3A_397 = tpu.memref_squeeze %dma_start3A_396 : memref<1x8x64xi32, #tpu.memory_space<hbm>> -> memref<8x64xi32, #tpu.memory_space<hbm>>
        tpu.enqueue_dma source(%dma_start3A_397 : memref<8x64xi32, #tpu.memory_space<hbm>>) target(%dma_start3A_394 : memref<8x64xi32, #tpu.memory_space<vmem>>) target_semaphore(%arg18 : memref<!tpu.dma_semaphore, #tpu.memory_space<semaphore_mem>>)
        %mul3A_398 = arith.constant 8 : i32
        %mul3A_399 = arith.muli %add3A_381, %mul3A_398 : i32
        %dma_start3A_400 = arith.constant 0 : i32
        %dma_start3A_401 = arith.constant 0 : i32
        %dma_start3A_402 = tpu.memref_slice %arg8[%select_n3A_183, %dma_start3A_400, %dma_start3A_401] : memref<3x8x64xi32, #tpu.memory_space<vmem>> -> memref<1x8x64xi32, #tpu.memory_space<vmem>>
        %dma_start3A_403 = tpu.memref_squeeze %dma_start3A_402 : memref<1x8x64xi32, #tpu.memory_space<vmem>> -> memref<8x64xi32, #tpu.memory_space<vmem>>
        %dma_start3A_404 = arith.constant 0 : i32
        %dma_start3A_405 = tpu.memref_slice %arg4[%add3A, %mul3A_399, %dma_start3A_404] : memref<32x160x64xi32, #tpu.memory_space<hbm>> -> memref<1x8x64xi32, #tpu.memory_space<hbm>>
        %dma_start3A_406 = tpu.memref_squeeze %dma_start3A_405 : memref<1x8x64xi32, #tpu.memory_space<hbm>> -> memref<8x64xi32, #tpu.memory_space<hbm>>
        %dma_start3A_407 = arith.constant 0 : i32
        %dma_start3A_408 = arith.constant 0 : i32
        %dma_start3A_409 = tpu.memref_slice %arg8[%select_n3A_183, %dma_start3A_407, %dma_start3A_408] : memref<3x8x64xi32, #tpu.memory_space<vmem>> -> memref<1x8x64xi32, #tpu.memory_space<vmem>>
        %dma_start3A_410 = tpu.memref_squeeze %dma_start3A_409 : memref<1x8x64xi32, #tpu.memory_space<vmem>> -> memref<8x64xi32, #tpu.memory_space<vmem>>
        %dma_start3A_411 = arith.constant 0 : i32
        %dma_start3A_412 = tpu.memref_slice %arg4[%add3A, %mul3A_399, %dma_start3A_411] : memref<32x160x64xi32, #tpu.memory_space<hbm>> -> memref<1x8x64xi32, #tpu.memory_space<hbm>>
        %dma_start3A_413 = tpu.memref_squeeze %dma_start3A_412 : memref<1x8x64xi32, #tpu.memory_space<hbm>> -> memref<8x64xi32, #tpu.memory_space<hbm>>
        tpu.enqueue_dma source(%dma_start3A_413 : memref<8x64xi32, #tpu.memory_space<hbm>>) target(%dma_start3A_410 : memref<8x64xi32, #tpu.memory_space<vmem>>) target_semaphore(%arg18 : memref<!tpu.dma_semaphore, #tpu.memory_space<semaphore_mem>>)
      } else {
      }
    }
    %scan3A_168 = arith.constant 20 : i32
    %barrier3A_169 = arith.constant 0 : index
    tpu.barrier barrier_id(%barrier3A_169)
    %mul3A_170 = arith.constant 632 : i32
    %mul3A_171 = arith.muli %arg1, %mul3A_170 : i32
    %mul3A_172 = arith.constant 632 : i32
    %mul3A_173 = arith.muli %arg1, %mul3A_172 : i32
    "tpu.region"() ({
      %run_scoped3A = tpu.sem_alloc : memref<!tpu.dma_semaphore, #tpu.memory_space<semaphore_mem>>
      %dma_start3A_174 = arith.constant 0 : i32
      %dma_start3A_175 = tpu.memref_slice %arg6[%arg0, %mul3A_173, %dma_start3A_174] : memref<2x10112x128xf32, #tpu.memory_space<hbm>> -> memref<1x632x128xf32, #tpu.memory_space<hbm>>
      %dma_start3A_176 = tpu.memref_squeeze %dma_start3A_175 : memref<1x632x128xf32, #tpu.memory_space<hbm>> -> memref<632x128xf32, #tpu.memory_space<hbm>>
      %dma_start3A_177 = arith.constant 0 : i32
      %dma_start3A_178 = tpu.memref_slice %arg13[%mul3A_171, %dma_start3A_177] : memref<10112x128xf32, #tpu.memory_space<vmem_shared>> -> memref<632x128xf32, #tpu.memory_space<vmem_shared>>
      tpu.enqueue_dma source(%dma_start3A_178 : memref<632x128xf32, #tpu.memory_space<vmem_shared>>) target(%dma_start3A_176 : memref<632x128xf32, #tpu.memory_space<hbm>>) target_semaphore(%run_scoped3A : memref<!tpu.dma_semaphore, #tpu.memory_space<semaphore_mem>>)
      %dma_wait3A_179 = arith.constant 0 : i32
      %dma_wait3A_180 = tpu.memref_slice %arg6[%arg0, %mul3A_173, %dma_wait3A_179] : memref<2x10112x128xf32, #tpu.memory_space<hbm>> -> memref<1x632x128xf32, #tpu.memory_space<hbm>>
      %dma_wait3A_181 = tpu.memref_squeeze %dma_wait3A_180 : memref<1x632x128xf32, #tpu.memory_space<hbm>> -> memref<632x128xf32, #tpu.memory_space<hbm>>
      %dma_wait3A_182 = arith.constant 0 : i32
      %dma_wait3A_183 = tpu.memref_slice %arg13[%mul3A_171, %dma_wait3A_182] : memref<10112x128xf32, #tpu.memory_space<vmem_shared>> -> memref<632x128xf32, #tpu.memory_space<vmem_shared>>
      tpu.wait_dma2 semaphore(%run_scoped3A : memref<!tpu.dma_semaphore, #tpu.memory_space<semaphore_mem>>) src(%dma_wait3A_183 : memref<632x128xf32, #tpu.memory_space<vmem_shared>>) dst(%dma_wait3A_181 : memref<632x128xf32, #tpu.memory_space<hbm>>)
      tpu.yield
    }) : () -> ()
    return
  }
}

module attributes {stable_mosaic.version = 14 : i64} {
  func.func @_mlp_body(%arg0: memref<10000x128xf32, #tpu.memory_space<vmem>>, %arg1: memref<2x10112x128xf32, #tpu.memory_space<vmem>>, %arg2: memref<128x128xf32, #tpu.memory_space<vmem>>, %arg3: memref<1x128xf32, #tpu.memory_space<vmem>>, %arg4: memref<1x128xf32, #tpu.memory_space<vmem>>, %arg5: memref<1x128xf32, #tpu.memory_space<vmem>>, %arg6: memref<128x128xf32, #tpu.memory_space<vmem>>, %arg7: memref<1x128xf32, #tpu.memory_space<vmem>>, %arg8: memref<1x128xf32, #tpu.memory_space<vmem>>, %arg9: memref<1x128xf32, #tpu.memory_space<vmem>>, %arg10: memref<128x128xf32, #tpu.memory_space<vmem>>, %arg11: memref<10000x128xf32, #tpu.memory_space<vmem>>) attributes {dimension_semantics = [], scalar_prefetch = 0 : i64, scratch_operands = 0 : i64, tpu.core_type = #tpu.core_type<tc>} {
    %get3A = arith.constant 0 : index
    %get3A_0 = arith.constant 0 : index
    %get3A_1 = vector.load %arg0[%get3A, %get3A_0] : memref<10000x128xf32, #tpu.memory_space<vmem>>, vector<10000x128xf32>
    %get3A_2 = arith.constant 0 : index
    %get3A_3 = arith.constant 0 : index
    %get3A_4 = arith.constant 0 : index
    %get3A_5 = vector.load %arg1[%get3A_2, %get3A_3, %get3A_4] : memref<2x10112x128xf32, #tpu.memory_space<vmem>>, vector<1x10000x128xf32>
    %get3A_6 = vector.shape_cast %get3A_5 : vector<1x10000x128xf32> to vector<10000x128xf32>
    %add3A = arith.addf %get3A_1, %get3A_6 : vector<10000x128xf32>
    %get3A_7 = arith.constant 1 : index
    %get3A_8 = arith.constant 0 : index
    %get3A_9 = arith.constant 0 : index
    %get3A_10 = vector.load %arg1[%get3A_7, %get3A_8, %get3A_9] : memref<2x10112x128xf32, #tpu.memory_space<vmem>>, vector<1x10000x128xf32>
    %get3A_11 = vector.shape_cast %get3A_10 : vector<1x10000x128xf32> to vector<10000x128xf32>
    %add3A_12 = arith.addf %add3A, %get3A_11 : vector<10000x128xf32>
    %get3A_13 = arith.constant 0 : index
    %get3A_14 = arith.constant 0 : index
    %get3A_15 = vector.load %arg2[%get3A_13, %get3A_14] : memref<128x128xf32, #tpu.memory_space<vmem>>, vector<128x128xf32>
    %dot_general3A = arith.constant dense<0.000000e+00> : vector<10000x128xf32>
    %dot_general3A_16 = tpu.matmul %add3A_12, %get3A_15, %dot_general3A {dimension_numbers = #tpu.dot_dimension_numbers<[1], [0], [0], [1], [0, 0, 1, 1], [], []>, transpose_lhs_hint = false} : vector<10000x128xf32>, vector<128x128xf32>, vector<10000x128xf32> -> vector<10000x128xf32>
    %get3A_17 = arith.constant 0 : index
    %get3A_18 = arith.constant 0 : index
    %get3A_19 = vector.load %arg3[%get3A_17, %get3A_18] : memref<1x128xf32, #tpu.memory_space<vmem>>, vector<1x128xf32>
    %add3A_20 = vector.broadcast %get3A_19 : vector<1x128xf32> to vector<10000x128xf32>
    %add3A_21 = arith.addf %dot_general3A_16, %add3A_20 : vector<10000x128xf32>
    %get3A_22 = arith.constant 0 : index
    %get3A_23 = arith.constant 0 : index
    %get3A_24 = vector.load %arg4[%get3A_22, %get3A_23] : memref<1x128xf32, #tpu.memory_space<vmem>>, vector<1x128xf32>
    %get3A_25 = arith.constant 0 : index
    %get3A_26 = arith.constant 0 : index
    %get3A_27 = vector.load %arg5[%get3A_25, %get3A_26] : memref<1x128xf32, #tpu.memory_space<vmem>>, vector<1x128xf32>
    %reduce_sum3A = arith.constant dense<0.000000e+00> : vector<128xf32>
    %reduce_sum3A_28 = vector.multi_reduction <add>, %add3A_21, %reduce_sum3A [0] : vector<10000x128xf32> to vector<128xf32>
    %broadcast_in_dim3A = vector.shape_cast %reduce_sum3A_28 : vector<128xf32> to vector<1x128xf32>
    %div3A = arith.constant 1.000000e+04 : f32
    %div3A_29 = vector.broadcast %div3A : f32 to vector<1x128xf32>
    %div3A_30 = arith.divf %broadcast_in_dim3A, %div3A_29 : vector<1x128xf32>
    %mul3A = arith.mulf %add3A_21, %add3A_21 : vector<10000x128xf32>
    %reduce_sum3A_31 = arith.constant dense<0.000000e+00> : vector<128xf32>
    %reduce_sum3A_32 = vector.multi_reduction <add>, %mul3A, %reduce_sum3A_31 [0] : vector<10000x128xf32> to vector<128xf32>
    %broadcast_in_dim3A_33 = vector.shape_cast %reduce_sum3A_32 : vector<128xf32> to vector<1x128xf32>
    %div3A_34 = arith.constant 1.000000e+04 : f32
    %div3A_35 = vector.broadcast %div3A_34 : f32 to vector<1x128xf32>
    %div3A_36 = arith.divf %broadcast_in_dim3A_33, %div3A_35 : vector<1x128xf32>
    %mul3A_37 = arith.mulf %div3A_30, %div3A_30 : vector<1x128xf32>
    %sub3A = arith.subf %div3A_36, %mul3A_37 : vector<1x128xf32>
    %add3A_38 = arith.constant 9.99999974E-6 : f32
    %add3A_39 = vector.broadcast %add3A_38 : f32 to vector<1x128xf32>
    %add3A_40 = arith.addf %sub3A, %add3A_39 : vector<1x128xf32>
    %rsqrt3A = math.rsqrt %add3A_40 : vector<1x128xf32>
    %mul3A_41 = arith.mulf %get3A_24, %rsqrt3A : vector<1x128xf32>
    %mul3A_42 = vector.broadcast %mul3A_41 : vector<1x128xf32> to vector<10000x128xf32>
    %mul3A_43 = arith.mulf %add3A_21, %mul3A_42 : vector<10000x128xf32>
    %mul3A_44 = arith.mulf %div3A_30, %mul3A_41 : vector<1x128xf32>
    %sub3A_45 = arith.subf %get3A_27, %mul3A_44 : vector<1x128xf32>
    %add3A_46 = vector.broadcast %sub3A_45 : vector<1x128xf32> to vector<10000x128xf32>
    %add3A_47 = arith.addf %mul3A_43, %add3A_46 : vector<10000x128xf32>
    %max3A = arith.constant 0.000000e+00 : f32
    %max3A_48 = vector.broadcast %max3A : f32 to vector<10000x128xf32>
    %max3A_49 = arith.maximumf %add3A_47, %max3A_48 : vector<10000x128xf32>
    %get3A_50 = arith.constant 0 : index
    %get3A_51 = arith.constant 0 : index
    %get3A_52 = vector.load %arg6[%get3A_50, %get3A_51] : memref<128x128xf32, #tpu.memory_space<vmem>>, vector<128x128xf32>
    %dot_general3A_53 = arith.constant dense<0.000000e+00> : vector<10000x128xf32>
    %dot_general3A_54 = tpu.matmul %max3A_49, %get3A_52, %dot_general3A_53 {dimension_numbers = #tpu.dot_dimension_numbers<[1], [0], [0], [1], [0, 0, 1, 1], [], []>, transpose_lhs_hint = false} : vector<10000x128xf32>, vector<128x128xf32>, vector<10000x128xf32> -> vector<10000x128xf32>
    %get3A_55 = arith.constant 0 : index
    %get3A_56 = arith.constant 0 : index
    %get3A_57 = vector.load %arg7[%get3A_55, %get3A_56] : memref<1x128xf32, #tpu.memory_space<vmem>>, vector<1x128xf32>
    %add3A_58 = vector.broadcast %get3A_57 : vector<1x128xf32> to vector<10000x128xf32>
    %add3A_59 = arith.addf %dot_general3A_54, %add3A_58 : vector<10000x128xf32>
    %get3A_60 = arith.constant 0 : index
    %get3A_61 = arith.constant 0 : index
    %get3A_62 = vector.load %arg8[%get3A_60, %get3A_61] : memref<1x128xf32, #tpu.memory_space<vmem>>, vector<1x128xf32>
    %get3A_63 = arith.constant 0 : index
    %get3A_64 = arith.constant 0 : index
    %get3A_65 = vector.load %arg9[%get3A_63, %get3A_64] : memref<1x128xf32, #tpu.memory_space<vmem>>, vector<1x128xf32>
    %reduce_sum3A_66 = arith.constant dense<0.000000e+00> : vector<128xf32>
    %reduce_sum3A_67 = vector.multi_reduction <add>, %add3A_59, %reduce_sum3A_66 [0] : vector<10000x128xf32> to vector<128xf32>
    %broadcast_in_dim3A_68 = vector.shape_cast %reduce_sum3A_67 : vector<128xf32> to vector<1x128xf32>
    %div3A_69 = arith.constant 1.000000e+04 : f32
    %div3A_70 = vector.broadcast %div3A_69 : f32 to vector<1x128xf32>
    %div3A_71 = arith.divf %broadcast_in_dim3A_68, %div3A_70 : vector<1x128xf32>
    %mul3A_72 = arith.mulf %add3A_59, %add3A_59 : vector<10000x128xf32>
    %reduce_sum3A_73 = arith.constant dense<0.000000e+00> : vector<128xf32>
    %reduce_sum3A_74 = vector.multi_reduction <add>, %mul3A_72, %reduce_sum3A_73 [0] : vector<10000x128xf32> to vector<128xf32>
    %broadcast_in_dim3A_75 = vector.shape_cast %reduce_sum3A_74 : vector<128xf32> to vector<1x128xf32>
    %div3A_76 = arith.constant 1.000000e+04 : f32
    %div3A_77 = vector.broadcast %div3A_76 : f32 to vector<1x128xf32>
    %div3A_78 = arith.divf %broadcast_in_dim3A_75, %div3A_77 : vector<1x128xf32>
    %mul3A_79 = arith.mulf %div3A_71, %div3A_71 : vector<1x128xf32>
    %sub3A_80 = arith.subf %div3A_78, %mul3A_79 : vector<1x128xf32>
    %add3A_81 = arith.constant 9.99999974E-6 : f32
    %add3A_82 = vector.broadcast %add3A_81 : f32 to vector<1x128xf32>
    %add3A_83 = arith.addf %sub3A_80, %add3A_82 : vector<1x128xf32>
    %rsqrt3A_84 = math.rsqrt %add3A_83 : vector<1x128xf32>
    %mul3A_85 = arith.mulf %get3A_62, %rsqrt3A_84 : vector<1x128xf32>
    %mul3A_86 = vector.broadcast %mul3A_85 : vector<1x128xf32> to vector<10000x128xf32>
    %mul3A_87 = arith.mulf %add3A_59, %mul3A_86 : vector<10000x128xf32>
    %mul3A_88 = arith.mulf %div3A_71, %mul3A_85 : vector<1x128xf32>
    %sub3A_89 = arith.subf %get3A_65, %mul3A_88 : vector<1x128xf32>
    %add3A_90 = vector.broadcast %sub3A_89 : vector<1x128xf32> to vector<10000x128xf32>
    %add3A_91 = arith.addf %mul3A_87, %add3A_90 : vector<10000x128xf32>
    %max3A_92 = arith.constant 0.000000e+00 : f32
    %max3A_93 = vector.broadcast %max3A_92 : f32 to vector<10000x128xf32>
    %max3A_94 = arith.maximumf %add3A_91, %max3A_93 : vector<10000x128xf32>
    %get3A_95 = arith.constant 0 : index
    %get3A_96 = arith.constant 0 : index
    %get3A_97 = vector.load %arg10[%get3A_95, %get3A_96] : memref<128x128xf32, #tpu.memory_space<vmem>>, vector<128x128xf32>
    %dot_general3A_98 = arith.constant dense<0.000000e+00> : vector<10000x128xf32>
    %dot_general3A_99 = tpu.matmul %max3A_94, %get3A_97, %dot_general3A_98 {dimension_numbers = #tpu.dot_dimension_numbers<[1], [0], [0], [1], [0, 0, 1, 1], [], []>, transpose_lhs_hint = false} : vector<10000x128xf32>, vector<128x128xf32>, vector<10000x128xf32> -> vector<10000x128xf32>
    %max3A_100 = arith.constant 0.000000e+00 : f32
    %max3A_101 = vector.broadcast %max3A_100 : f32 to vector<10000x128xf32>
    %max3A_102 = arith.maximumf %dot_general3A_99, %max3A_101 : vector<10000x128xf32>
    %swap3A = arith.constant 0 : index
    %swap3A_103 = arith.constant 0 : index
    %swap3A_104 = vector.load %arg11[%swap3A, %swap3A_103] : memref<10000x128xf32, #tpu.memory_space<vmem>>, vector<10000x128xf32>
    tpu.vector_store %arg11[%swap3A, %swap3A_103], %max3A_102 {strides = array<i32>} : memref<10000x128xf32, #tpu.memory_space<vmem>>, vector<10000x128xf32>,
    return
  }
}

</mosaic_0001>

<sc_bundles>
// kernel: kernel.4.cloned.1.call-start
scs
__scs_entry_jumppad:
0x0: {  	(pc) =	sbr.rel $0x88, $3  }
0x1: {  	(tag) =	ssettag $0x0;
	lr =	simm.s32 $0x1  }
0x2: {  	[smem:$0x3F96] =	sst lr;
	_ =	strace $0xD0000000  }
0x3: {  	_ = 	snop  }
0x4: {  	_ = 	snop  }
0x5: {  	_ = 	snop  }
0x6: {  	_ = 	snop  }
0x7: {  	_ = 	snop  }
__scs_overlays_trampoline_lowered:
0x8: {  	[smem:$0x3FA5] =	sst s0  }
0x9: {  	[smem:$0x3FA6] =	sst s1  }
0xa: {  	[smem:$0x3FA7] =	sst s2  }
0xb: {  	[smem:$0x3FA8] =	sst s3  }
0xc: {  	[smem:$0x3FA9] =	sst s4  }
0xd: {  	[smem:$0x3FAA] =	sst s5  }
0xe: {  	[smem:$0x3FAB] =	sst s6  }
0xf: {  	[smem:$0x3FAC] =	sst s7  }
0x10: {  	[smem:$0x3FAD] =	sst s8  }
0x11: {  	[smem:$0x3FAE] =	sst s9;
	s0 =	simm.s32 @!p0 $0x0  }
0x12: {  	s1 =	sld [smem:$0x3F94];
	s0 =	simm.s32 @p0 $0x1  }
0x13: {  	[smem:$0x3FAF] =	sst s0;
	s0 =	simm.s32 @!p1 $0x0  }
0x14: {  	s2 =	sld [smem:$0x3F93];
	s0 =	simm.s32 @p1 $0x1  }
0x15: {  	[smem:$0x3FB0] =	sst s0;
	s0 =	simm.s32 @!p2 $0x0  }
0x16: {  	s3 =	sld [smem:$0x3FDB];
	s0 =	simm.s32 @p2 $0x1  }
0x17: {  	s4 =	simm.s32 $0x1BF5;
	[smem:$0x3FB2] =	sst s0  }
0x18: {  	s0 =	sld [smem:$0x3F95];
	_ =	swait.ge [sflag:s4], $0x0  }
0x19: {  	s7 =	sld [smem:$0x3F96]  }
0x1a: {  	s8 =	sadd.s32 $0xFFFFE003, lr  }
0x1b: {  	s9 =	sadd.s32 $0xFFFFFEF7, lr;
	s5 =	simm.s32 $0xFFFFFFFF;
	p2 =	slt.u32 s8, $0xFFFFF086  }
0x1c: {  	p1 =	slt.u32 s9, $0xF7A;
	s5 =	simm.s32 @!p2 $0x0  }
0x1d: {  	s5 =	simm.s32 @p1 $0x1;
	p0 =	seq.s32 s7, s2  }
0x1e: {  	s7 =	smul.u32 @!p0 $0xF7A, s2;
	p2 =	seq.s32 @!p0 s5, $0x0  }
0x1f: {  	s9 =	smul.u32 $0xF7A, s1;
	s8 =	simm.s32 @!p0 $0x1BF5;
	p2 =	por !p2, p0  }
0x20: {  	[sflag:s8] =	ssyncset.s32 @!p0 $0xFFFFF086;
	s6 =	sadd.s32 @!p0 s3, s7;
	s7 =	simm.s32 @!p0 $0x108  }
0x21: {  	s3 =	sadd.s32 s3, s9;
	s6 =	sadd.s32 @!p0 $0x88, s6;
	s7 =	simm.s32 @p2 $0x1082  }
0x22: {  	[simem:s7], [sflag:s8] =	dma.local @!p0 [hbm:s6], $0xF7A  }
0x23: {  	s9 =	sor.u32 $0xD0000000, s2;
	s6 =	simm.s32 $0x108;
	_ =	swait.ge @!p0 [sflag:s8], $0x0  }
0x24: {  	s3 =	sadd.s32 $0x88, s3;
	s6 =	simm.s32 @!p1 $0x1082;
	[sflag:s4] =	ssyncset.s32 $0xFFFFF086  }
0x25: {  	[simem:s6], [sflag:s4] =	dma.local [hbm:s3], $0xF7A  }
0x26: {  	[smem:$0x3F96] =	sst s1;
	(tag) =	ssettag s2;
	_ =	strace s9  }
0x27: {  	s1 =	sld [smem:$0x3FA6]  }
0x28: {  	s2 =	sld [smem:$0x3FA7]  }
0x29: {  	s4 =	sld [smem:$0x3FA9]  }
0x2a: {  	p0 =	seq.s32 s5, $0x0;
	s5 =	sld [smem:$0x3FAA]  }
0x2b: {  	s6 =	sld [smem:$0x3FAB]  }
0x2c: {  	s7 =	sld [smem:$0x3FAC]  }
0x2d: {  	s3 =	simm.s32 $0x108;
	s8 =	sld [smem:$0x3FAD]  }
0x2e: {  	s3 =	simm.s32 @!p0 $0x1082;
	s9 =	sld [smem:$0x3FAE]  }
0x2f: {  	lr =	sadd.s32 s0, s3;
	s0 =	sld [smem:$0x3FA5]  }
0x30: {  	s3 =	sld [smem:$0x3FA8]  }
0x31: {  	[smem:$0x3FB1] =	sst s10  }
0x32: {  	s10 =	sld [smem:$0x3FAF];
	_ =	sdelay $0x3  }
0x33: {  	p0 =	seq.s32 s10, $0x1;
	s10 =	sld [smem:$0x3FB1];
	_ =	sdelay $0x3  }
0x34: {  	[smem:$0x3FB1] =	sst s10  }
0x35: {  	s10 =	sld [smem:$0x3FB0];
	_ =	sdelay $0x3  }
0x36: {  	p1 =	seq.s32 s10, $0x1;
	s10 =	sld [smem:$0x3FB1];
	_ =	sdelay $0x3  }
0x37: {  	[smem:$0x3FB1] =	sst s10  }
0x38: {  	s10 =	sld [smem:$0x3FB2]  }
0x39: {  	_ = 	snop;
	(pc) =	sbr.ind lr, $3  }
0x3a: {  	_ = 	snop  }
0x3b: {  	_ = 	snop  }
0x3c: {  	p2 =	seq.s32 s10, $0x1;
	s10 =	sld [smem:$0x3FB1]  }
0x3d: {  	_ =	shalt  }
0x3e: {  	_ =	shalt  }
0x3f: {  	_ =	shalt  }
0x40: {  	_ =	shalt  }
0x41: {  	_ =	shalt  }
0x42: {  	_ =	shalt  }
0x43: {  	_ =	shalt  }
0x44: {  	_ =	shalt  }
0x45: {  	_ =	shalt  }
0x46: {  	_ =	shalt  }
0x47: {  	_ =	shalt  }
0x48: {  	_ =	shalt  }
0x49: {  	_ =	shalt  }
0x4a: {  	_ =	shalt  }
0x4b: {  	_ =	shalt  }
0x4c: {  	_ =	shalt  }
0x4d: {  	_ =	shalt  }
0x4e: {  	_ =	shalt  }
0x4f: {  	_ =	shalt  }
0x50: {  	_ =	shalt  }
0x51: {  	_ =	shalt  }
0x52: {  	_ =	shalt  }
0x53: {  	_ =	shalt  }
0x54: {  	_ =	shalt  }
0x55: {  	_ =	shalt  }
0x56: {  	_ =	shalt  }
0x57: {  	_ =	shalt  }
0x58: {  	_ =	shalt  }
0x59: {  	_ =	shalt  }
0x5a: {  	_ =	shalt  }
0x5b: {  	_ =	shalt  }
0x5c: {  	_ =	shalt  }
0x5d: {  	_ =	shalt  }
0x5e: {  	_ =	shalt  }
0x5f: {  	_ =	shalt  }
0x60: {  	_ =	shalt  }
0x61: {  	_ =	shalt  }
0x62: {  	_ =	shalt  }
0x63: {  	_ =	shalt  }
0x64: {  	_ =	shalt  }
0x65: {  	_ =	shalt  }
0x66: {  	_ =	shalt  }
0x67: {  	_ =	shalt  }
0x68: {  	_ =	shalt  }
0x69: {  	_ =	shalt  }
0x6a: {  	_ =	shalt  }
0x6b: {  	_ =	shalt  }
0x6c: {  	_ =	shalt  }
0x6d: {  	_ =	shalt  }
0x6e: {  	_ =	shalt  }
0x6f: {  	_ =	shalt  }
0x70: {  	_ =	shalt  }
0x71: {  	_ =	shalt  }
0x72: {  	_ =	shalt  }
0x73: {  	_ =	shalt  }
0x74: {  	_ =	shalt  }
0x75: {  	_ =	shalt  }
0x76: {  	_ =	shalt  }
0x77: {  	_ =	shalt  }
0x78: {  	_ =	shalt  }
0x79: {  	_ =	shalt  }
0x7a: {  	_ =	shalt  }
0x7b: {  	_ =	shalt  }
0x7c: {  	_ =	shalt  }
0x7d: {  	_ =	shalt  }
0x7e: {  	_ =	shalt  }
0x7f: {  	_ =	shalt  }
0x80: {  	_ =	shalt  }
0x81: {  	_ =	shalt  }
0x82: {  	_ =	shalt  }
0x83: {  	_ =	shalt  }
0x84: {  	_ =	shalt  }
0x85: {  	_ =	shalt  }
0x86: {  	_ =	shalt  }
0x87: {  	_ =	shalt  }
.Lfunc_end0:
.L_simem_size_0:
called_computation_lowered:
.L_overlay_start_0:
0x88: {  	s2 =	sld [smem:$0x3FD9]  }
0x89: {  	s3 =	sld [smem:$0x3FFE];
	_ =	sdelay $0x1  }
0x8a: {  	s1 =	srdreg.scid  }
0x8b: {  	s0 =	sand.u32 $0x1, s1  }
0x8c: {  	s17 =	sshll.u32 s0, $0xA;
	s2 =	sadd.s32 s3, s2  }
0x8d: {  	s2 =	sadd.s32 s2, s17  }
0x8e: {  	[smem:$0x3FBD] =	sst s2  }
0x8f: {  	_ = 	snop  }
0x90: {  	s2 =	sld [smem:$0x3FC9]  }
0x91: {  	s18 =	sld [smem:$0x3FD0];
	(tm) =	ssettm $0x1  }
0x92: {  	s4 =	sld [smem:$0x3FFB];
	_ =	sdelay $0x3  }
0x93: {  	_ =	strace s4  }
0x94: {  	s4 =	sld [smem:$0x3FFC];
	_ =	sdelay $0x3  }
0x95: {  	_ =	strace s4  }
0x96: {  	s4 =	sld [smem:$0x3FFD];
	_ =	sdelay $0x3  }
0x97: {  	_ =	strace s4  }
0x98: {  	_ =	strace $0x8FFFFFFF  }
0x99: {  	s19 =	sld [smem:$0x3FDB];
	_ =	sdelay $0x1  }
0x9a: {  	s5 =	simm.s32 $_scs_section_size  }
0x9b: {  	s6 =	simm.s32 $_size__tile_overlayer_lowered;
	s7 =	simm.s32 $_tile_overlayer_lowered  }
0x9c: {  	s22 =	simm.s32 $0x1BFF;
	s21 =	sshll.u32 s7, $0x1;
	s4 =	sadd.s32 s5, s19  }
0x9d: {  	s8 =	simm.s32 $0x0;
	s20 =	sshll.u32 s6, $0x1;
	s6 =	sadd.s32 s21, s4  }
0x9e: {  	[timem:s8], [sflag:s22] =	dma.local [hbm:s6], s20  }
0x9f: {  	_ =	swait.ge [sflag:s22], s20  }
0xa0: {  	s5 =	ssub.s32 $0x0, s20;
	[sflag:s22] =	ssyncset.done $0x0  }
0xa1: {  	[sflag:s22] =	ssyncadd.s32 s5;
	_ =	sdelay $0x1  }
0xa2: {  	s23 =	simm.s32 $0x1B8B  }
0xa3: {  	_ =	swait.ge [sflag:s23], $0x1  }
0xa4: {  	[sflag:s23] =	ssyncset.done $0x0  }
0xa5: {  	s25 =	simm.s32 $0x1B8E;
	s24 =	sld [smem:$0x3FFE];
	[sflag:s23] =	ssyncadd.s32 $0xFFFFFFFF  }
0xa6: {  	s26 =	simm.s32 $execute0_lowered;
	[smem:$0x3FD2] =	sst s25  }
0xa7: {  	s6 =	sshll.u32 s26, $0x1;
	_ =	strace $0x80000046;
	[dreg:$0x1] =	wrdreg $0xFFFFFFFF  }
0xa8: {  	s28 =	simm.s32 $_size_execute0_lowered;
	s4 =	sadd.s32 s4, s6;
	[dreg:$0x0] =	wrdreg $0x0  }
0xa9: {  	s6 =	sshll.u32 s28, $0x1;
	[dreg:$0x2] =	wrdreg s4  }
0xaa: {  	[dreg:$0x3] =	wrdreg s6  }
0xab: {  	[dreg:$0x4] =	wrdreg $0xC0  }
0xac: {  	_ =	task [dreg:s8], $0x5FFFF  }
0xad: {  	[dreg:$0x1] =	wrdreg $0xFFFFFFFF  }
0xae: {  	[dreg:$0x0] =	wrdreg $0x60  }
0xaf: {  	[dreg:$0x2] =	wrdreg s2  }
0xb0: {  	[dreg:$0x3] =	wrdreg s18  }
0xb1: {  	[dreg:$0x4] =	wrdreg s24  }
0xb2: {  	[dreg:$0x5] =	wrdreg $0x98000  }
0xb3: {  	[dreg:$0x6] =	wrdreg $0x9  }
0xb4: {  	_ =	task.clear_ibuf [dreg:s8], $0x7FFFF;
	_ =	strace $0x90000046  }
0xb5: {  	s29 =	simm.s32 $0x9;
	_ =	strace $0x80000048  }
0xb6: {  	_ =	swait.ge [sflag:s29], $0x1  }
0xb7: {  	[sflag:s29] =	ssyncadd.s32 $0xFFFFFFFF  }
0xb8: {  	_ =	strace $0x90000048  }
0xb9: {  	_ =	sfence  }
0xba: {  	s30 =	sld [smem:$0x0];
	_ =	sdelay $0x2  }
0xbb: {  	s31 =	sshll.u32 s1, $0xD;
	s1 =	sshrl.u32 s1, $0x2  }
0xbc: {  	s3 =	sand.u32 $0x4000, s31;
	s1 =	sadd.s32 s1, s30  }
0xbd: {  	s0 =	sor.u32 s3, s0;
	s1 =	sshll.u32 s1, $0x11  }
0xbe: {  	s0 =	sor.u32 s1, s0  }
0xbf: {  	s0 =	sadd.s32 $0x8F2B, s0  }
0xc0: {  	[sflag:s0] =	ssyncadd.remote.s32 $0x1  }
0xc1: {  	_ =	sfence.sel $0xFFFF  }
0xc2: {  	[dreg:$0x0] =	wrdreg $0xFFFFFFFF;
	(pc) =	sbr.abs _section_cstart, $3  }
0xc3: {  	[dreg:$0x1] =	wrdreg $0xFFFFFFFF  }
0xc4: {  	_ =	task.clear_ibuf [dreg:s8], $0x2FFFF;
	_ =	strace $0x9FFFFFFF  }
0xc5: {  	(tm) =	ssettm $0x7FFFFFFF  }
tec
execute0_lowered:
.L_overlay_start_1:
0x0: {  	(tag) =	ssettag $0x1  }
0x1: {  	s1 =	rddreg [dreg:$0x0]  }
0x2: {  	s0 =	rddreg [dreg:$0x1]  }
0x3: {  	s3 =	rddreg [dreg:$0x2]  }
0x4: {  	s2 =	rddreg [dreg:$0x3]  }
0x5: {  	s4 =	srdreg.scid;
	s11 =	stileid.u32;
	s29 =	simm.s32 $0x3800  }
0x6: {  	s31 =	simm.s32 $0x5800;
	s5 =	sand.u32 $0x1, s4;
	s7 =	smul.u32 $0x13C00, s11  }
0x7: {  	s4 =	simm.s32 $0x0;
	s8 =	sadd.s32 $0x1800, s3;
	s16 =	smul.u32 $0x4F000, s11  }
0x8: {  	s9 =	sadd.s32 $0x15800, s3;
	s17 =	sshll.u32 s11, $0x1;
	s19 =	smul.u32 $0xA000, s11  }
0x9: {  	s20 =	sshll.u32 s11, $0x6;
	s6 =	smul.u32 $0x13C000, s5;
	[smem:$0x7FF] =	sst s4  }
0xa: {  	s18 =	ssub.s32 $0x2, s5;
	_ =	strace $0x80000047;
	[dreg:$0x5] =	wrdreg s9  }
0xb: {  	s9 =	sor.u32 s5, s17;
	s10 =	sshrl.u32 s18, $0x1;
	s5 =	smul.u32 $0x5000, s5  }
0xc: {  	s6 =	sadd.s32 s7, s6;
	s7 =	sshrl.u32 s16, $0x2;
	s9 =	smul.u32 $0x5000, s9  }
0xd: {  	s14 =	ssub.s32 s18, s10;
	s18 =	simm.s32 $0x6;
	s6 =	sshrl.u32 s6, $0x3  }
0xe: {  	s7 =	sadd.s32 s7, s2;
	s5 =	sadd.s32 s5, s19;
	s14 =	smax.u32 s14, $0x1  }
0xf: {  	s19 =	simm.s32 $0x2;
	s3 =	sadd.s32 s6, s3;
	s21 =	sshrl.u32 s9, $0x3  }
0x10: {  	s6 =	sor.u32 $0x1C06, s20;
	s5 =	sor.u32 $0xC00, s5;
	s17 =	sshrl.u32 s7, $0x3  }
0x11: {  	s20 =	simm.s32 $0x3;
	s9 =	sadd.s32 s0, s21;
	s12 =	sor.u32 $0x80, s21  }
0x12: {  	s22 =	sadd.s32 s8, s21;
	s25 =	sor.u32 $0x100, s21;
	[dreg:$0x6] =	wrdreg s9  }
0x13: {  	s5 =	sshrl.u32 s5, $0x3;
	s3 =	sadd.s32 $0x18000, s3;
	[dreg:$0x7] =	wrdreg s22  }
0x14: {  	s21 =	simm.s32 $0x4;
	s23 =	sadd.s32 s0, s12;
	[dreg:$0xc] =	wrdreg s3  }
0x15: {  	s24 =	sadd.s32 s8, s12;
	s26 =	sadd.s32 s0, s25;
	[dreg:$0x8] =	wrdreg s23  }
0x16: {  	s30 =	sadd.s32 s8, s25;
	s28 =	sadd.s32 s5, s8;
	[dreg:$0x9] =	wrdreg s24  }
0x17: {  	s25 =	simm.s32 $0x40;
	s3 =	simm.s32 $0x7800;
	[dreg:$0xa] =	wrdreg s26  }
0x18: {  	s22 =	simm.s32 $0x0;
	[dreg:$0xb] =	wrdreg s30;
	s23 =	sadd.s32 s5, s0  }
0x19: {  	s24 =	simm.s32 $0x5;
	s26 =	simm.s32 $0x1800;
	s0 =	simm.s32 $0x1  }
.LBB2_1:
0x1a: {  	s5 =	rddreg [dreg:$0x5]  }
0x1b: {  	[spmem:s17], [sflag:s6] =	dma.local [hbm:s5], $0x2780  }
0x1c: {  	_ =	swait.ge [sflag:s18], $0x2780  }
0x1d: {  	[sflag:s18] =	ssyncset.done $0x0  }
0x1e: {  	[sflag:s18] =	ssyncadd.s32 $0xFFFFD880  }
0x1f: {  	[bflag:$0x0] =	sbarrier.arrive $0xFFFF  }
0x20: {  	s12 =	rddreg [dreg:$0x6]  }
0x21: {  	[tilespmem:s4], [sflag:$0x5] =	stream.linear.gather [hbm4b:s12+s4], $0x400, $0x38;
	[tilespmem:$0x1D400] =	vst v63  }
0x22: {  	s7 =	simm.s32 $0xC00;
	s13 =	rddreg [dreg:$0x7]  }
0x23: {  	[tilespmem:s7], [sflag:$0x5] =	stream.linear.gather [hbm4b:s13+s4], $0x400, $0x38;
	[tilespmem:$0x1D400] =	vst v63  }
0x24: {  	s16 =	simm.s32 $0x400;
	s15 =	rddreg [dreg:$0x8]  }
0x25: {  	[tilespmem:s16], [sflag:$0x5] =	stream.linear.gather [hbm4b:s15+s4], $0x400, $0x38;
	[tilespmem:$0x1D400] =	vst v63  }
0x26: {  	s9 =	simm.s32 $0x1000;
	s8 =	rddreg [dreg:$0x9]  }
0x27: {  	[tilespmem:s9], [sflag:$0x5] =	stream.linear.gather [hbm4b:s8+s4], $0x400, $0x38;
	[tilespmem:$0x1D400] =	vst v63  }
0x28: {  	s11 =	simm.s32 $0x800;
	s10 =	rddreg [dreg:$0xa]  }
0x29: {  	[tilespmem:s11], [sflag:$0x5] =	stream.linear.gather [hbm4b:s10+s4], $0x400, $0x38;
	[tilespmem:$0x1D400] =	vst v63  }
0x2a: {  	s12 =	rddreg [dreg:$0xb];
	s13 =	simm.s32 $0x1400  }
0x2b: {  	[tilespmem:s13], [sflag:$0x5] =	stream.linear.gather [hbm4b:s12+s4], $0x400, $0x38;
	[tilespmem:$0x1D400] =	vst v63  }
0x2c: {  	_ =	swait.ge [sflag:s24], $0x400  }
0x2d: {  	[sflag:s24] =	ssyncset.done $0x0  }
0x2e: {  	[sflag:s24] =	ssyncadd.s32 $0xFFFFFC00  }
0x2f: {  	_ =	swait.ge [sflag:s24], $0x400  }
0x30: {  	[sflag:s24] =	ssyncset.done $0x0  }
0x31: {  	[sflag:s24] =	ssyncadd.s32 $0xFFFFFC00;
	(ifvalue) =	ssetifvalue $0xFFFFFFFF  }
0x32: {  	(ifvalue) =	ssetifvalue $0xFFFFFFFF  }
0x33: {  	[tilespmem:s26], [sflag:$0x1] =	stream.indirect.gather [hbm4b:s1+s25], $0x80, s4, s25, $0x40b8;
	[tilespmem:$0x1D400] =	vst v63  }
0x34: {  	(ifvalue) =	ssetifvalue $0xFFFFFFFF  }
0x35: {  	s15 =	simm.s32 $0x80;
	(ifvalue) =	ssetifvalue $0xFFFFFFFF  }
0x36: {  	[tilespmem:s29], [sflag:$0x2] =	stream.indirect.gather [hbm4b:s1+s25], $0x80, s15, s25, $0x40b8;
	[tilespmem:$0x1D400] =	vst v63  }
0x37: {  	(ifvalue) =	ssetifvalue $0xFFFFFFFF  }
0x38: {  	s16 =	simm.s32 $0x100;
	(ifvalue) =	ssetifvalue $0xFFFFFFFF  }
0x39: {  	[tilespmem:s31], [sflag:$0x3] =	stream.indirect.gather [hbm4b:s1+s25], $0x80, s16, s25, $0x40b8;
	[tilespmem:$0x1D400] =	vst v63  }
0x3a: {  	s30 =	simm.s32 $0x0;
	s15 =	smov.u32 s28;
	s16 =	smov.u32 s23  }
.LBB2_2:
0x3b: {  	p0 =	seq.s32 s30, $0x13  }
0x3c: {  	s8 =	smul.u32 $0xAB, s30;
	s5 =	simm.s32 @!p0 $0x5  }
0x3d: {  	_ =	swait.ge @!p0 [sflag:s5], $0x400  }
0x3e: {  	s7 =	sshrl.u32 s8, $0x9;
	[sflag:s5] =	ssyncset.done @!p0 $0x0  }
0x3f: {  	s7 =	sand.u32 $0x7F, s7;
	[sflag:s5] =	ssyncadd.s32 @!p0 $0xFFFFFC00  }
0x40: {  	s7 =	smul.u32 $0x3, s7;
	_ =	swait.ge @!p0 [sflag:s5], $0x400  }
0x41: {  	[sflag:s5] =	ssyncset.done @!p0 $0x0  }
0x42: {  	s11 =	ssub.s32 s30, s7;
	[sflag:s5] =	ssyncadd.s32 @!p0 $0xFFFFFC00  }
0x43: {  	s5 =	sand.u32 $0xFF, s11;
	_ =	swait.ge [sflag:s0], $0x2000  }
0x44: {  	s5 =	sshll.u32 s5, $0xA;
	[sflag:s0] =	ssyncset.done $0x0  }
0x45: {  	s7 =	sadd.s32 $0xC00, s5;
	[sflag:s0] =	ssyncadd.s32 $0xFFFFE000;
	(ifvalue) =	ssetifvalue $0xFFFFFFFF  }
0x46: {  	[spmem:s2] =	stream.indirect.scatter.add.f32 [tilespmem:s26], [sflag:$0x6], $0x80, s7, s25, $0x40b8;
	[tilespmem:$0x1D400] =	vst v63  }
0x47: {  	_ =	swait.ge [sflag:s18], $0x2000  }
0x48: {  	[sflag:s18] =	ssyncset.done $0x0  }
0x49: {  	[sflag:s18] =	ssyncadd.s32 $0xFFFFE000;
	(ifvalue) =	ssetifvalue $0xFFFFFFFF  }
0x4a: {  	s9 =	sor.u32 $0x180, s5;
	(ifvalue) =	ssetifvalue $0xFFFFFFFF  }
0x4b: {  	[tilespmem:s3], [sflag:$0x4] =	stream.indirect.gather [hbm4b:s1+s25], $0x80, s9, s25, $0x40b8;
	[tilespmem:$0x1D400] =	vst v63  }
0x4c: {  	_ =	swait.ge [sflag:s19], $0x2000  }
0x4d: {  	[sflag:s19] =	ssyncset.done $0x0  }
0x4e: {  	s12 =	sadd.s32 $0xC80, s5;
	[sflag:s19] =	ssyncadd.s32 $0xFFFFE000;
	(ifvalue) =	ssetifvalue $0xFFFFFFFF  }
0x4f: {  	[spmem:s2] =	stream.indirect.scatter.add.f32 [tilespmem:s29], [sflag:$0x6], $0x80, s12, s25, $0x40b8;
	[tilespmem:$0x1D400] =	vst v63  }
0x50: {  	_ =	swait.ge [sflag:s18], $0x2000  }
0x51: {  	[sflag:s18] =	ssyncset.done $0x0  }
0x52: {  	[sflag:s18] =	ssyncadd.s32 $0xFFFFE000;
	(ifvalue) =	ssetifvalue $0xFFFFFFFF  }
0x53: {  	s13 =	sor.u32 $0x200, s5;
	(ifvalue) =	ssetifvalue $0xFFFFFFFF  }
0x54: {  	[tilespmem:s26], [sflag:$0x1] =	stream.indirect.gather [hbm4b:s1+s25], $0x80, s13, s25, $0x40b8;
	[tilespmem:$0x1D400] =	vst v63  }
0x55: {  	_ =	swait.ge [sflag:s20], $0x2000  }
0x56: {  	[sflag:s20] =	ssyncset.done $0x0  }
0x57: {  	s10 =	sadd.s32 $0xD00, s5;
	[sflag:s20] =	ssyncadd.s32 $0xFFFFE000;
	(ifvalue) =	ssetifvalue $0xFFFFFFFF  }
0x58: {  	[spmem:s2] =	stream.indirect.scatter.add.f32 [tilespmem:s31], [sflag:$0x6], $0x80, s10, s25, $0x40b8;
	[tilespmem:$0x1D400] =	vst v63  }
0x59: {  	_ =	swait.ge [sflag:s18], $0x2000  }
0x5a: {  	[sflag:s18] =	ssyncset.done $0x0  }
0x5b: {  	[sflag:s18] =	ssyncadd.s32 $0xFFFFE000;
	(ifvalue) =	ssetifvalue $0xFFFFFFFF  }
0x5c: {  	s11 =	sor.u32 $0x280, s5;
	(ifvalue) =	ssetifvalue $0xFFFFFFFF  }
0x5d: {  	[tilespmem:s29], [sflag:$0x2] =	stream.indirect.gather [hbm4b:s1+s25], $0x80, s11, s25, $0x40b8;
	[tilespmem:$0x1D400] =	vst v63  }
0x5e: {  	_ =	swait.ge [sflag:s21], $0x2000  }
0x5f: {  	[sflag:s21] =	ssyncset.done $0x0  }
0x60: {  	s12 =	sadd.s32 $0xD80, s5;
	[sflag:s21] =	ssyncadd.s32 $0xFFFFE000;
	(ifvalue) =	ssetifvalue $0xFFFFFFFF  }
0x61: {  	[spmem:s2] =	stream.indirect.scatter.add.f32 [tilespmem:s3], [sflag:$0x6], $0x80, s12, s25, $0x40b8;
	[tilespmem:$0x1D400] =	vst v63  }
0x62: {  	_ =	swait.ge [sflag:s18], $0x2000  }
0x63: {  	[sflag:s18] =	ssyncset.done $0x0  }
0x64: {  	[sflag:s18] =	ssyncadd.s32 $0xFFFFE000;
	(ifvalue) =	ssetifvalue $0xFFFFFFFF  }
0x65: {  	s13 =	sor.u32 $0x300, s5;
	(ifvalue) =	ssetifvalue $0xFFFFFFFF  }
0x66: {  	[tilespmem:s31], [sflag:$0x3] =	stream.indirect.gather [hbm4b:s1+s25], $0x80, s13, s25, $0x40b8;
	[tilespmem:$0x1D400] =	vst v63  }
0x67: {  	_ =	swait.ge [sflag:s0], $0x2000  }
0x68: {  	[sflag:s0] =	ssyncset.done $0x0  }
0x69: {  	s10 =	sadd.s32 $0xE00, s5;
	[sflag:s0] =	ssyncadd.s32 $0xFFFFE000;
	(ifvalue) =	ssetifvalue $0xFFFFFFFF  }
0x6a: {  	[spmem:s2] =	stream.indirect.scatter.add.f32 [tilespmem:s26], [sflag:$0x6], $0x80, s10, s25, $0x40b8;
	[tilespmem:$0x1D400] =	vst v63  }
0x6b: {  	_ =	swait.ge [sflag:s18], $0x2000  }
0x6c: {  	[sflag:s18] =	ssyncset.done $0x0  }
0x6d: {  	[sflag:s18] =	ssyncadd.s32 $0xFFFFE000;
	(ifvalue) =	ssetifvalue $0xFFFFFFFF  }
0x6e: {  	s11 =	sor.u32 $0x380, s5;
	(ifvalue) =	ssetifvalue $0xFFFFFFFF  }
0x6f: {  	[tilespmem:s3], [sflag:$0x4] =	stream.indirect.gather [hbm4b:s1+s25], $0x80, s11, s25, $0x40b8;
	[tilespmem:$0x1D400] =	vst v63  }
0x70: {  	_ =	swait.ge [sflag:s19], $0x2000  }
0x71: {  	[sflag:s19] =	ssyncset.done $0x0  }
0x72: {  	s12 =	sadd.s32 $0xE80, s5;
	[sflag:s19] =	ssyncadd.s32 $0xFFFFE000;
	(ifvalue) =	ssetifvalue $0xFFFFFFFF  }
0x73: {  	[spmem:s2] =	stream.indirect.scatter.add.f32 [tilespmem:s29], [sflag:$0x6], $0x80, s12, s25, $0x40b8;
	[tilespmem:$0x1D400] =	vst v63  }
0x74: {  	_ =	swait.ge [sflag:s18], $0x2000  }
0x75: {  	s8 =	sadd.s32 $0xAB, s8;
	[sflag:s18] =	ssyncset.done $0x0  }
0x76: {  	s8 =	sshrl.u32 s8, $0x9;
	s9 =	simm.s32 @p0 $0x3;
	[sflag:s18] =	ssyncadd.s32 $0xFFFFE000  }
0x77: {  	s8 =	sand.u32 $0x7F, s8;
	_ =	swait.ge @p0 [sflag:s9], $0x2000  }
0x78: {  	s10 =	simm.s32 @p0 $0x40;
	s11 =	simm.s32 @p0 $0x5800;
	[sflag:s9] =	ssyncset.done @p0 $0x0  }
0x79: {  	[sflag:s9] =	ssyncadd.s32 @p0 $0xFFFFE000;
	s9 =	sadd.s32 @p0 $0xF00, s5;
	(ifvalue) =	ssetifvalue @p0 $0xFFFFFFFF  }
0x7a: {  	[spmem:s2] =	stream.indirect.scatter.add.f32 @p0 [tilespmem:s11], [sflag:$0x6], $0x80, s9, s10, $0x40b8;
	[tilespmem:$0x1D400] =	vst v63  }
0x7b: {  	s8 =	smul.u32 $0x3, s8;
	s9 =	simm.s32 @p0 $0x6  }
0x7c: {  	s10 =	sadd.s32 $0x1, s30;
	_ =	swait.ge @p0 [sflag:s9], $0x2000  }
0x7d: {  	s11 =	simm.s32 @!p0 $0x1800;
	s8 =	ssub.s32 s10, s8;
	[sflag:s9] =	ssyncset.done @p0 $0x0  }
0x7e: {  	s8 =	sand.u32 $0xFF, s8;
	[sflag:s9] =	ssyncadd.s32 @p0 $0xFFFFE000;
	(ifvalue) =	ssetifvalue @!p0 $0xFFFFFFFF  }
0x7f: {  	s8 =	sshll.u32 @!p0 s8, $0xA;
	s9 =	simm.s32 @!p0 $0x40;
	(ifvalue) =	ssetifvalue @!p0 $0xFFFFFFFF  }
0x80: {  	[tilespmem:s11], [sflag:$0x1] =	stream.indirect.gather @!p0 [hbm4b:s1+s9], $0x80, s8, s9, $0x40b8;
	[tilespmem:$0x1D400] =	vst v63  }
0x81: {  	s11 =	simm.s32 @!p0 $0x3  }
0x82: {  	_ =	swait.ge @!p0 [sflag:s11], $0x2000  }
0x83: {  	s12 =	simm.s32 @!p0 $0x5800;
	[sflag:s11] =	ssyncset.done @!p0 $0x0  }
0x84: {  	[sflag:s11] =	ssyncadd.s32 @!p0 $0xFFFFE000;
	s11 =	sadd.s32 @!p0 $0xF00, s5;
	(ifvalue) =	ssetifvalue @!p0 $0xFFFFFFFF  }
0x85: {  	[spmem:s2] =	stream.indirect.scatter.add.f32 @!p0 [tilespmem:s12], [sflag:$0x6], $0x80, s11, s9, $0x40b8;
	[tilespmem:$0x1D400] =	vst v63  }
0x86: {  	s11 =	simm.s32 @!p0 $0x6  }
0x87: {  	_ =	swait.ge @!p0 [sflag:s11], $0x2000  }
0x88: {  	[sflag:s11] =	ssyncset.done @!p0 $0x0  }
0x89: {  	[sflag:s11] =	ssyncadd.s32 @!p0 $0xFFFFE000;
	(ifvalue) =	ssetifvalue @!p0 $0xFFFFFFFF  }
0x8a: {  	s13 =	simm.s32 @!p0 $0x3800;
	s11 =	sor.u32 @!p0 $0x80, s8;
	(ifvalue) =	ssetifvalue @!p0 $0xFFFFFFFF  }
0x8b: {  	[tilespmem:s13], [sflag:$0x2] =	stream.indirect.gather @!p0 [hbm4b:s1+s9], $0x80, s11, s9, $0x40b8;
	[tilespmem:$0x1D400] =	vst v63  }
0x8c: {  	_ =	swait.ge [sflag:s21], $0x2000  }
0x8d: {  	[sflag:s21] =	ssyncset.done $0x0  }
0x8e: {  	s13 =	sadd.s32 $0xF80, s5;
	[sflag:s21] =	ssyncadd.s32 $0xFFFFE000;
	(ifvalue) =	ssetifvalue $0xFFFFFFFF  }
0x8f: {  	[spmem:s2] =	stream.indirect.scatter.add.f32 [tilespmem:s3], [sflag:$0x6], $0x80, s13, s25, $0x40b8;
	[tilespmem:$0x1D400] =	vst v63  }
0x90: {  	_ =	swait.ge [sflag:s18], $0x2000  }
0x91: {  	[sflag:s18] =	ssyncset.done $0x0  }
0x92: {  	p1 =	sgt.u32 @!p0 s30, $0x10;
	[sflag:s18] =	ssyncadd.s32 $0xFFFFE000;
	(ifvalue) =	ssetifvalue @!p0 $0xFFFFFFFF  }
0x93: {  	p1 =	por p1, p0;
	s8 =	sor.u32 @!p0 $0x100, s8;
	(ifvalue) =	ssetifvalue @!p0 $0xFFFFFFFF  }
0x94: {  	[tilespmem:s12], [sflag:$0x3] =	stream.indirect.gather @!p0 [hbm4b:s1+s9], $0x80, s8, s9, $0x40b8;
	[tilespmem:$0x1D400] =	vst v63  }
0x95: {  	s8 =	simm.s32 @!p1 $0x0  }
0x96: {  	[tilespmem:s5], [sflag:$0x5] =	stream.linear.gather @!p1 [hbm4b:s16+s8], $0x400, $0x38;
	[tilespmem:$0x1D400] =	vst v63  }
0x97: {  	_ = 	snop  }
0x98: {  	[tilespmem:s7], [sflag:$0x5] =	stream.linear.gather @!p1 [hbm4b:s15+s8], $0x400, $0x38;
	[tilespmem:$0x1D400] =	vst v63  }
0x99: {  	p1 =	sne.s32 @!p0 s10, $0x14  }
0x9a: {  	p1 =	por p0, !p1  }
.Ltmp0:
0x9b: {  	_ = 	snop;
	(pc) =	sbr.rel @!p1 .LBB2_2-.Ltmp0, $2  }
0x9c: {  	_ =	sdelay $0x2  }
0x9d: {  	s30 =	smov.u32 s10;
	s16 =	sadd.s32 @!p0 $0x80, s16;
	s15 =	sadd.s32 @!p0 $0x80, s15  }
0x9e: {  	s22 =	sadd.s32 $0x1, s22  }
0x9f: {  	[bflag:$0x0] =	sbarrier.arrive $0xFFFF;
	p0 =	sne.s32 s22, s14  }
.Ltmp1:
0xa0: {  	s5 =	rddreg [dreg:$0xc];
	(pc) =	sbr.rel @p0 .LBB2_1-.Ltmp1, $4  }
0xa1: {  	[hbm:s5], [sflag:s6] =	dma.local [spmem:s17], $0x2780  }
0xa2: {  	_ =	swait.ge [sflag:s18], $0x2780  }
0xa3: {  	[sflag:s18] =	ssyncset.done $0x0  }
0xa4: {  	[sflag:s18] =	ssyncadd.s32 $0xFFFFD880  }
0xa5: {  	_ =	sfence.sel $0x180000  }
0xa6: {  	[bflag:$0x0] =	sbarrier.arrive $0xFFFF  }
0xa7: {  	_ =	strace $0x90000047  }
0xa8: {  	s0 =	stileid.u32;
	[bflag:$0x2] =	sbarrier.arrive $0xFFFF  }
0xa9: {  	p0 =	sne.s32 s0, $0x0;
	s0 =	rddreg [dreg:$0x4]  }
0xaa: {  	s0 =	sadd.s32 @!p0 $0x100000, s0  }
0xab: {  	[sflag:s0] =	ssyncadd.tile.s32 @!p0 $0x1;
	_ =	shalt  }
.Lfunc_end2:
_tile_overlayer_lowered:
.L_overlay_start_2:
0xac: {  	(tag) =	ssettag $0x2  }
0xad: {  	s0 =	rddreg [dreg:$0x0];
	s2 =	stileid.u32  }
0xae: {  	s1 =	rddreg [dreg:$0x1];
	p0 =	sne.s32 s2, $0x0  }
0xaf: {  	s3 =	rddreg [dreg:$0x2];
	[bflag:$0x3] =	sbarrier.arrive $0xFFFF;
	s2 =	simm.s32 @!p0 $0x1C06  }
0xb0: {  	[timem:s3], [sflag:s2] =	dma.local @!p0 [hbm:s0], s1  }
0xb1: {  	s0 =	simm.s32 @!p0 $0x6  }
0xb2: {  	_ =	swait.ge @!p0 [sflag:s0], s1  }
0xb3: {  	s1 =	ssub.s32 @!p0 $0x0, s1;
	[sflag:s0] =	ssyncset.done @!p0 $0x0  }
0xb4: {  	[sflag:s0] =	ssyncadd.s32 @!p0 s1  }
0xb5: {  	[bflag:$0x3] =	sbarrier.arrive $0xFFFF  }
0xb6: {  	_ =	shalt  }

</sc_bundles>
